<compile_context>
chip_gen: v7x
topology: tpu7x:2x2x1
jax: 0.10.2.dev20260603
libtpu: 0.0.44.dev20260713+nightly
codegen_flags: <defaults>
</compile_context>

<pallas_src>
import jax
import jax.numpy as jnp
from jax import lax
from jax.experimental import pallas as pl
from jax.experimental.pallas import tpu as pltpu
from jax.experimental.pallas import tpu_sc as plsc

N = 10000
E = 320000
D = 128
NC = 2
NS = 16
NW = NC * NS
CHUNK = 128
CPT = 80
E_PAD = NW * CPT * CHUNK
N_PAD = 10240
RPT = N_PAD // NS
BM = 2048


def _mm_body(x_ref, w_ref, o_ref):
    o_ref[...] = jnp.dot(x_ref[...], w_ref[...],
                         preferred_element_type=jnp.float32)


def _tc_matmul(x, w):
    m, k = x.shape
    n = w.shape[1]
    return pl.pallas_call(
        _mm_body,
        grid=(m // BM,),
        in_specs=[
            pl.BlockSpec((BM, k), lambda i: (i, 0)),
            pl.BlockSpec((k, n), lambda i: (0, 0)),
        ],
        out_specs=pl.BlockSpec((BM, n), lambda i: (i, 0)),
        out_shape=jax.ShapeDtypeStruct((m, n), jnp.float32),
    )(x, w)


def _sc_msgpass(hw, src3, dst3):
    mesh = plsc.VectorSubcoreMesh(core_axis_name="c", subcore_axis_name="s",
                                  num_cores=NC, num_subcores=NS)

    out_type = jax.ShapeDtypeStruct((NC, N_PAD, D), jnp.float32)
    scratch = [
        pltpu.VMEM((CPT, CHUNK), jnp.int32),
        pltpu.VMEM((CPT, CHUNK), jnp.int32),
        pltpu.VMEM((CHUNK, D), jnp.float32),
        pltpu.VMEM_SHARED((N_PAD, D), jnp.float32),
        pltpu.SemaphoreType.DMA,
    ]

    def body(hw_hbm, src_hbm, dst_hbm, out_hbm, src_v, dst_v, rows_v, acc,
             sem):
        cid = lax.axis_index("c")
        sid = lax.axis_index("s")
        wid = cid * NS + sid

        pltpu.sync_copy(src_hbm.at[wid], src_v)
        pltpu.sync_copy(dst_hbm.at[wid], dst_v)

        zero16 = jnp.zeros((16,), jnp.float32)

        def zrow(i, carry):
            for j in range(D // 16):
                rows_v[i, pl.ds(j * 16, 16)] = zero16
            return carry
        lax.fori_loop(0, CHUNK, zrow, 0)

        base = sid * RPT
        for k in range(RPT // CHUNK):
            pltpu.sync_copy(rows_v, acc.at[pl.ds(base + k * CHUNK, CHUNK)])

        plsc.subcore_barrier()

        def step(j, carry):
            pltpu.async_copy(hw_hbm.at[src_v.at[j]], rows_v, sem).wait()
            pltpu.sync_copy(rows_v, acc.at[dst_v.at[j]], add=True)
            return carry
        lax.fori_loop(0, CPT, step, 0)

        plsc.subcore_barrier()

        pltpu.sync_copy(acc.at[pl.ds(base, RPT)],
                        out_hbm.at[cid].at[pl.ds(base, RPT)])

    f = pl.kernel(body, out_type=out_type, mesh=mesh, scratch_types=scratch)
    return f(hw, src3, dst3)


def _sc_degree(dst3):
    mesh = plsc.VectorSubcoreMesh(core_axis_name="c", subcore_axis_name="s",
                                  num_cores=NC, num_subcores=NS)

    def body(dst_hbm, zo_hbm, deg_hbm, dst_v, ones_v, dacc):
        cid = lax.axis_index("c")
        sid = lax.axis_index("s")
        wid = cid * NS + sid

        pltpu.sync_copy(dst_hbm.at[wid], dst_v)
        pltpu.sync_copy(zo_hbm.at[0], ones_v)
        base = sid * RPT
        for k in range(RPT // CHUNK):
            pltpu.sync_copy(ones_v, dacc.at[pl.ds(base + k * CHUNK, CHUNK)])
        pltpu.sync_copy(zo_hbm.at[1], ones_v)

        plsc.subcore_barrier()

        def step(j, carry):
            pltpu.sync_copy(ones_v, dacc.at[dst_v.at[j]], add=True)
            return carry
        lax.fori_loop(0, CPT, step, 0)

        plsc.subcore_barrier()

        pltpu.sync_copy(dacc.at[pl.ds(base, RPT)],
                        deg_hbm.at[cid].at[pl.ds(base, RPT)])

    f = pl.kernel(
        body,
        out_type=jax.ShapeDtypeStruct((NC, N_PAD, 8), jnp.float32),
        mesh=mesh,
        scratch_types=[
            pltpu.VMEM((CPT, CHUNK), jnp.int32),
            pltpu.VMEM((CHUNK, 8), jnp.float32),
            pltpu.VMEM_SHARED((N_PAD, 8), jnp.float32),
        ],
        compiler_params=pltpu.CompilerParams(use_tc_tiling_on_sc=False),
    )
    zo = jnp.concatenate([jnp.zeros((1, CHUNK, 8), jnp.float32),
                          jnp.ones((1, CHUNK, 8), jnp.float32)])
    return f(dst3, zo)


def _comb1_body(agg_ref, degp_ref, w_ref, h1_ref, hw2_ref, deg_ref):
    agg = agg_ref[0] + agg_ref[1]
    deg = jnp.maximum(degp_ref[0, :, :1] + degp_ref[1, :, :1], 1.0)
    h1 = jnp.maximum(agg, 0.0) / deg
    h1_ref[...] = h1
    hw2_ref[...] = jnp.dot(h1, w_ref[...], preferred_element_type=jnp.float32)
    deg_ref[...] = deg


def _tc_combine1(agg_parts, deg_parts, w_enc2):
    return pl.pallas_call(
        _comb1_body,
        grid=(N_PAD // BM,),
        in_specs=[
            pl.BlockSpec((NC, BM, D), lambda i: (0, i, 0)),
            pl.BlockSpec((NC, BM, 8), lambda i: (0, i, 0)),
            pl.BlockSpec((D, D), lambda i: (0, 0)),
        ],
        out_specs=[
            pl.BlockSpec((BM, D), lambda i: (i, 0)),
            pl.BlockSpec((BM, D), lambda i: (i, 0)),
            pl.BlockSpec((BM, 1), lambda i: (i, 0)),
        ],
        out_shape=[
            jax.ShapeDtypeStruct((N_PAD, D), jnp.float32),
            jax.ShapeDtypeStruct((N_PAD, D), jnp.float32),
            jax.ShapeDtypeStruct((N_PAD, 1), jnp.float32),
        ],
    )(agg_parts, deg_parts, w_enc2)


def _dec_body(agg_ref, deg_ref, h1_ref, wda_ref, wdb_ref, wm_ref,
              wc_ref, wv_ref, ws_ref, logits_ref, c_ref, v_ref, f_ref):
    agg = agg_ref[0] + agg_ref[1]
    deg = deg_ref[...]
    h2 = jnp.maximum(agg, 0.0) / deg
    hd = jnp.dot(h2, wda_ref[...], preferred_element_type=jnp.float32)
    hd = hd + jnp.dot(h1_ref[...], wdb_ref[...],
                      preferred_element_type=jnp.float32)
    hd = jnp.maximum(hd, 0.0)
    y = jnp.dot(hd, wm_ref[...], preferred_element_type=jnp.float32)
    f = jnp.where(y >= 0.0, y, 0.1 * y)
    f_ref[...] = f
    cz = jnp.dot(f, wc_ref[...], preferred_element_type=jnp.float32)
    c_ref[...] = 1.0 / (1.0 + jnp.exp(-cz))
    vz = jnp.dot(f, wv_ref[...], preferred_element_type=jnp.float32)
    v_ref[...] = jnp.maximum(vz, 0.0)
    logits_ref[...] = jnp.dot(f, ws_ref[...],
                              preferred_element_type=jnp.float32)


def _tc_decode(agg2_parts, deg, h1, w_dec, w_mlp, w_center, w_var, w_softmax):
    wda = w_dec[:D]
    wdb = w_dec[D:]
    nc1 = w_center.shape[1]
    nv = w_var.shape[1]
    ns = w_softmax.shape[1]
    return pl.pallas_call(
        _dec_body,
        grid=(N_PAD // BM,),
        in_specs=[
            pl.BlockSpec((NC, BM, D), lambda i: (0, i, 0)),
            pl.BlockSpec((BM, 1), lambda i: (i, 0)),
            pl.BlockSpec((BM, D), lambda i: (i, 0)),
            pl.BlockSpec((D, D), lambda i: (0, 0)),
            pl.BlockSpec((D, D), lambda i: (0, 0)),
            pl.BlockSpec((D, D), lambda i: (0, 0)),
            pl.BlockSpec((D, nc1), lambda i: (0, 0)),
            pl.BlockSpec((D, nv), lambda i: (0, 0)),
            pl.BlockSpec((D, ns), lambda i: (0, 0)),
        ],
        out_specs=[
            pl.BlockSpec((BM, ns), lambda i: (i, 0)),
            pl.BlockSpec((BM, nc1), lambda i: (i, 0)),
            pl.BlockSpec((BM, nv), lambda i: (i, 0)),
            pl.BlockSpec((BM, D), lambda i: (i, 0)),
        ],
        out_shape=[
            jax.ShapeDtypeStruct((N_PAD, ns), jnp.float32),
            jax.ShapeDtypeStruct((N_PAD, nc1), jnp.float32),
            jax.ShapeDtypeStruct((N_PAD, nv), jnp.float32),
            jax.ShapeDtypeStruct((N_PAD, D), jnp.float32),
        ],
    )(agg2_parts, deg, h1, wda, wdb, w_mlp, w_center, w_var, w_softmax)


def kernel(x, edge_index, W_enc1, W_enc2, W_dec, W_mlp, W_center, W_var,
           W_softmax):
    src = edge_index[0]
    dst = edge_index[1]
    pad = E_PAD - E
    pad_src = jnp.arange(pad, dtype=jnp.int32) % N
    pad_dst = N + jnp.arange(pad, dtype=jnp.int32) % (N_PAD - N)
    src3 = jnp.concatenate([src, pad_src]).reshape(NW, CPT, CHUNK)
    dst3 = jnp.concatenate([dst, pad_dst]).reshape(NW, CPT, CHUNK)

    x_p = jnp.concatenate([x, jnp.zeros((N_PAD - N, D), jnp.float32)])
    hw1 = _tc_matmul(x_p, W_enc1)
    deg_parts = _sc_degree(dst3)
    agg1_parts = _sc_msgpass(hw1, src3, dst3)
    h1, hw2, deg = _tc_combine1(agg1_parts, deg_parts, W_enc2)
    agg2_parts = _sc_msgpass(hw2, src3, dst3)
    logits, c, v, f = _tc_decode(agg2_parts, deg, h1, W_dec, W_mlp,
                                 W_center, W_var, W_softmax)
    return (logits[:N], c[:N], v[:N], f[:N])

# --- scband reference (transcript-rebuilt; emitter-appended) ---
"""Pipeline reference for scband-kpfcnn-82592221102835 (READ-ONLY COPY).

The authoritative reference and input builder live on the scoring server;
editing this copy changes nothing except your own understanding.
"""

import jax, jax.numpy as jnp
import numpy as np

N_NODES = 10000
N_EDGES = 320000
D_FEAT = 128
D_HEAD = 128
N_CLASSES = 19
FREE_DIM = 4


def setup_inputs(seed: int = 0) -> dict:
    key = jax.random.key(seed)
    ks = jax.random.split(key, 10)
    x = jax.random.normal(ks[0], (N_NODES, D_FEAT), dtype=jnp.float32)
    edge_index = jax.random.randint(ks[1], (2, N_EDGES), 0, N_NODES, dtype=jnp.int32)
    s = 0.05
    W_enc1 = jax.random.normal(ks[2], (D_FEAT, D_HEAD), dtype=jnp.float32) * s
    W_enc2 = jax.random.normal(ks[3], (D_HEAD, D_HEAD), dtype=jnp.float32) * s
    W_dec = jax.random.normal(ks[4], (D_HEAD + D_HEAD, D_HEAD), dtype=jnp.float32) * s
    W_mlp = jax.random.normal(ks[5], (D_HEAD, D_HEAD), dtype=jnp.float32) * s
    W_center = jax.random.normal(ks[6], (D_HEAD, 1), dtype=jnp.float32) * s
    W_var = jax.random.normal(ks[7], (D_HEAD, D_HEAD + FREE_DIM), dtype=jnp.float32) * s
    W_softmax = jax.random.normal(ks[8], (D_HEAD, N_CLASSES), dtype=jnp.float32) * s
    return {"x": x, "edge_index": edge_index, "W_enc1": W_enc1, "W_enc2": W_enc2,
            "W_dec": W_dec, "W_mlp": W_mlp, "W_center": W_center, "W_var": W_var,
            "W_softmax": W_softmax}


def _mp_block(h, W, src, dst, n_nodes):
    # KPConv-style neighborhood aggregation: transform, gather from src, scatter-add to dst,
    # degree-normalize (kernel-point correlation collapsed to mean aggregation), then ReLU.
    hw = h @ W
    msgs = jnp.take(hw, src, axis=0)
    agg = jax.ops.segment_sum(msgs, dst, num_segments=n_nodes)
    deg = jax.ops.segment_sum(jnp.ones((msgs.shape[0], 1), h.dtype), dst, num_segments=n_nodes)
    return jax.nn.relu(agg / jnp.maximum(deg, 1.0))


def reference(x, edge_index, W_enc1, W_enc2, W_dec, W_mlp, W_center, W_var, W_softmax):
    src = edge_index[0]
    dst = edge_index[1]
    n_nodes = x.shape[0]
    # Encoder with skip connection (mirrors encoder_blocks + encoder_skips)
    h1 = _mp_block(x, W_enc1, src, dst, n_nodes)
    skip = h1
    h2 = _mp_block(h1, W_enc2, src, dst, n_nodes)
    # Decoder: upsample (identity at single scale) + concat skip + unary block
    hd = jnp.concatenate([h2, skip], axis=1)
    hd = jax.nn.relu(hd @ W_dec)
    # Heads (UnaryBlock = linear [+ leaky relu]; head_center has no relu then sigmoid)
    f = jax.nn.leaky_relu(hd @ W_mlp, negative_slope=0.1)
    c = jax.nn.sigmoid(f @ W_center)
    v = jax.nn.relu(f @ W_var)
    logits = f @ W_softmax
    return (logits, c, v, f)

if __name__ == "__main__":
    import jax
    _d = setup_inputs()
    print(jax.jit(kernel)(*tuple(_d.values())))

</pallas_src>

<mosaic_0001>
#map = affine_map<(d0, d1) -> (0, 0, 0)>
module attributes {stable_mosaic.version = 14 : i64} {
  func.func @body(%arg0: i32, %arg1: i32, %arg2: memref<32x80x128xi32, #tpu.memory_space<hbm>>, %arg3: memref<2x128x8xf32, #tpu.memory_space<hbm>>, %arg4: memref<2x10240x8xf32, #tpu.memory_space<hbm>>, %arg5: memref<80x128xi32, #tpu.memory_space<vmem>>, %arg6: memref<128x8xf32, #tpu.memory_space<vmem>>, %arg7: memref<10240x8xf32, #tpu.memory_space<vmem_shared>>) attributes {dimension_semantics = [#tpu.dimension_semantics<core_parallel>, #tpu.dimension_semantics<subcore_parallel>], iteration_bounds = array<i64: 2, 16>, scalar_prefetch = 0 : i64, scratch_operands = 3 : i64, tpu.core_type = #tpu.core_type<sc_vector_subcore>, window_params = [{transform_indices = #map}, {transform_indices = #map}, {transform_indices = #map}]} {
    %mul3A = arith.constant 16 : i32
    %mul3A_0 = arith.muli %arg0, %mul3A : i32
    %add3A = arith.addi %mul3A_0, %arg1 : i32
    "tpu.region"() ({
      %run_scoped3A_20 = tpu.sem_alloc : memref<!tpu.dma_semaphore, #tpu.memory_space<semaphore_mem>>
      %dma_start3A = arith.constant 0 : i32
      %dma_start3A_21 = arith.constant 0 : i32
      %dma_start3A_22 = tpu.memref_slice %arg2[%add3A, %dma_start3A, %dma_start3A_21] : memref<32x80x128xi32, #tpu.memory_space<hbm>> -> memref<1x80x128xi32, #tpu.memory_space<hbm>>
      %dma_start3A_23 = tpu.memref_squeeze %dma_start3A_22 : memref<1x80x128xi32, #tpu.memory_space<hbm>> -> memref<80x128xi32, #tpu.memory_space<hbm>>
      %dma_start3A_24 = arith.constant 0 : i32
      %dma_start3A_25 = arith.constant 0 : i32
      %dma_start3A_26 = tpu.memref_slice %arg2[%add3A, %dma_start3A_24, %dma_start3A_25] : memref<32x80x128xi32, #tpu.memory_space<hbm>> -> memref<1x80x128xi32, #tpu.memory_space<hbm>>
      %dma_start3A_27 = tpu.memref_squeeze %dma_start3A_26 : memref<1x80x128xi32, #tpu.memory_space<hbm>> -> memref<80x128xi32, #tpu.memory_space<hbm>>
      tpu.enqueue_dma source(%dma_start3A_27 : memref<80x128xi32, #tpu.memory_space<hbm>>) target(%arg5 : memref<80x128xi32, #tpu.memory_space<vmem>>) target_semaphore(%run_scoped3A_20 : memref<!tpu.dma_semaphore, #tpu.memory_space<semaphore_mem>>)
      %dma_wait3A = arith.constant 0 : i32
      %dma_wait3A_28 = arith.constant 0 : i32
      %dma_wait3A_29 = tpu.memref_slice %arg2[%add3A, %dma_wait3A, %dma_wait3A_28] : memref<32x80x128xi32, #tpu.memory_space<hbm>> -> memref<1x80x128xi32, #tpu.memory_space<hbm>>
      %dma_wait3A_30 = tpu.memref_squeeze %dma_wait3A_29 : memref<1x80x128xi32, #tpu.memory_space<hbm>> -> memref<80x128xi32, #tpu.memory_space<hbm>>
      %dma_wait3A_31 = arith.constant 0 : i32
      %dma_wait3A_32 = arith.constant 0 : i32
      %dma_wait3A_33 = tpu.memref_slice %arg2[%add3A, %dma_wait3A_31, %dma_wait3A_32] : memref<32x80x128xi32, #tpu.memory_space<hbm>> -> memref<1x80x128xi32, #tpu.memory_space<hbm>>
      %dma_wait3A_34 = tpu.memref_squeeze %dma_wait3A_33 : memref<1x80x128xi32, #tpu.memory_space<hbm>> -> memref<80x128xi32, #tpu.memory_space<hbm>>
      tpu.wait_dma2 semaphore(%run_scoped3A_20 : memref<!tpu.dma_semaphore, #tpu.memory_space<semaphore_mem>>) src(%dma_wait3A_34 : memref<80x128xi32, #tpu.memory_space<hbm>>) dst(%arg5 : memref<80x128xi32, #tpu.memory_space<vmem>>)
      tpu.yield
    }) : () -> ()
    %run_scoped3A = arith.constant 0 : i32
    "tpu.region"() ({
      %run_scoped3A_20 = tpu.sem_alloc : memref<!tpu.dma_semaphore, #tpu.memory_space<semaphore_mem>>
      %dma_start3A = arith.constant 0 : i32
      %dma_start3A_21 = arith.constant 0 : i32
      %dma_start3A_22 = tpu.memref_slice %arg3[%run_scoped3A, %dma_start3A, %dma_start3A_21] : memref<2x128x8xf32, #tpu.memory_space<hbm>> -> memref<1x128x8xf32, #tpu.memory_space<hbm>>
      %dma_start3A_23 = tpu.memref_squeeze %dma_start3A_22 : memref<1x128x8xf32, #tpu.memory_space<hbm>> -> memref<128x8xf32, #tpu.memory_space<hbm>>
      %dma_start3A_24 = arith.constant 0 : i32
      %dma_start3A_25 = arith.constant 0 : i32
      %dma_start3A_26 = tpu.memref_slice %arg3[%run_scoped3A, %dma_start3A_24, %dma_start3A_25] : memref<2x128x8xf32, #tpu.memory_space<hbm>> -> memref<1x128x8xf32, #tpu.memory_space<hbm>>
      %dma_start3A_27 = tpu.memref_squeeze %dma_start3A_26 : memref<1x128x8xf32, #tpu.memory_space<hbm>> -> memref<128x8xf32, #tpu.memory_space<hbm>>
      tpu.enqueue_dma source(%dma_start3A_27 : memref<128x8xf32, #tpu.memory_space<hbm>>) target(%arg6 : memref<128x8xf32, #tpu.memory_space<vmem>>) target_semaphore(%run_scoped3A_20 : memref<!tpu.dma_semaphore, #tpu.memory_space<semaphore_mem>>)
      %dma_wait3A = arith.constant 0 : i32
      %dma_wait3A_28 = arith.constant 0 : i32
      %dma_wait3A_29 = tpu.memref_slice %arg3[%run_scoped3A, %dma_wait3A, %dma_wait3A_28] : memref<2x128x8xf32, #tpu.memory_space<hbm>> -> memref<1x128x8xf32, #tpu.memory_space<hbm>>
      %dma_wait3A_30 = tpu.memref_squeeze %dma_wait3A_29 : memref<1x128x8xf32, #tpu.memory_space<hbm>> -> memref<128x8xf32, #tpu.memory_space<hbm>>
      %dma_wait3A_31 = arith.constant 0 : i32
      %dma_wait3A_32 = arith.constant 0 : i32
      %dma_wait3A_33 = tpu.memref_slice %arg3[%run_scoped3A, %dma_wait3A_31, %dma_wait3A_32] : memref<2x128x8xf32, #tpu.memory_space<hbm>> -> memref<1x128x8xf32, #tpu.memory_space<hbm>>
      %dma_wait3A_34 = tpu.memref_squeeze %dma_wait3A_33 : memref<1x128x8xf32, #tpu.memory_space<hbm>> -> memref<128x8xf32, #tpu.memory_space<hbm>>
      tpu.wait_dma2 semaphore(%run_scoped3A_20 : memref<!tpu.dma_semaphore, #tpu.memory_space<semaphore_mem>>) src(%dma_wait3A_34 : memref<128x8xf32, #tpu.memory_space<hbm>>) dst(%arg6 : memref<128x8xf32, #tpu.memory_space<vmem>>)
      tpu.yield
    }) : () -> ()
    %mul3A_1 = arith.constant 640 : i32
    %mul3A_2 = arith.muli %arg1, %mul3A_1 : i32
    %add3A_3 = arith.constant 0 : i32
    %add3A_4 = arith.addi %mul3A_2, %add3A_3 : i32
    "tpu.region"() ({
      %run_scoped3A_20 = tpu.sem_alloc : memref<!tpu.dma_semaphore, #tpu.memory_space<semaphore_mem>>
      %dma_start3A = arith.constant 0 : i32
      %dma_start3A_21 = tpu.memref_slice %arg7[%add3A_4, %dma_start3A] : memref<10240x8xf32, #tpu.memory_space<vmem_shared>> -> memref<128x8xf32, #tpu.memory_space<vmem_shared>>
      %dma_start3A_22 = arith.constant 0 : i32
      %dma_start3A_23 = tpu.memref_slice %arg7[%add3A_4, %dma_start3A_22] : memref<10240x8xf32, #tpu.memory_space<vmem_shared>> -> memref<128x8xf32, #tpu.memory_space<vmem_shared>>
      tpu.enqueue_dma source(%arg6 : memref<128x8xf32, #tpu.memory_space<vmem>>) target(%dma_start3A_23 : memref<128x8xf32, #tpu.memory_space<vmem_shared>>) target_semaphore(%run_scoped3A_20 : memref<!tpu.dma_semaphore, #tpu.memory_space<semaphore_mem>>)
      %dma_wait3A = arith.constant 0 : i32
      %dma_wait3A_24 = tpu.memref_slice %arg7[%add3A_4, %dma_wait3A] : memref<10240x8xf32, #tpu.memory_space<vmem_shared>> -> memref<128x8xf32, #tpu.memory_space<vmem_shared>>
      %dma_wait3A_25 = arith.constant 0 : i32
      %dma_wait3A_26 = tpu.memref_slice %arg7[%add3A_4, %dma_wait3A_25] : memref<10240x8xf32, #tpu.memory_space<vmem_shared>> -> memref<128x8xf32, #tpu.memory_space<vmem_shared>>
      tpu.wait_dma2 semaphore(%run_scoped3A_20 : memref<!tpu.dma_semaphore, #tpu.memory_space<semaphore_mem>>) src(%arg6 : memref<128x8xf32, #tpu.memory_space<vmem>>) dst(%dma_wait3A_26 : memref<128x8xf32, #tpu.memory_space<vmem_shared>>)
      tpu.yield
    }) : () -> ()
    %add3A_5 = arith.constant 128 : i32
    %add3A_6 = arith.addi %mul3A_2, %add3A_5 : i32
    "tpu.region"() ({
      %run_scoped3A_20 = tpu.sem_alloc : memref<!tpu.dma_semaphore, #tpu.memory_space<semaphore_mem>>
      %dma_start3A = arith.constant 0 : i32
      %dma_start3A_21 = tpu.memref_slice %arg7[%add3A_6, %dma_start3A] : memref<10240x8xf32, #tpu.memory_space<vmem_shared>> -> memref<128x8xf32, #tpu.memory_space<vmem_shared>>
      %dma_start3A_22 = arith.constant 0 : i32
      %dma_start3A_23 = tpu.memref_slice %arg7[%add3A_6, %dma_start3A_22] : memref<10240x8xf32, #tpu.memory_space<vmem_shared>> -> memref<128x8xf32, #tpu.memory_space<vmem_shared>>
      tpu.enqueue_dma source(%arg6 : memref<128x8xf32, #tpu.memory_space<vmem>>) target(%dma_start3A_23 : memref<128x8xf32, #tpu.memory_space<vmem_shared>>) target_semaphore(%run_scoped3A_20 : memref<!tpu.dma_semaphore, #tpu.memory_space<semaphore_mem>>)
      %dma_wait3A = arith.constant 0 : i32
      %dma_wait3A_24 = tpu.memref_slice %arg7[%add3A_6, %dma_wait3A] : memref<10240x8xf32, #tpu.memory_space<vmem_shared>> -> memref<128x8xf32, #tpu.memory_space<vmem_shared>>
      %dma_wait3A_25 = arith.constant 0 : i32
      %dma_wait3A_26 = tpu.memref_slice %arg7[%add3A_6, %dma_wait3A_25] : memref<10240x8xf32, #tpu.memory_space<vmem_shared>> -> memref<128x8xf32, #tpu.memory_space<vmem_shared>>
      tpu.wait_dma2 semaphore(%run_scoped3A_20 : memref<!tpu.dma_semaphore, #tpu.memory_space<semaphore_mem>>) src(%arg6 : memref<128x8xf32, #tpu.memory_space<vmem>>) dst(%dma_wait3A_26 : memref<128x8xf32, #tpu.memory_space<vmem_shared>>)
      tpu.yield
    }) : () -> ()
    %add3A_7 = arith.constant 256 : i32
    %add3A_8 = arith.addi %mul3A_2, %add3A_7 : i32
    "tpu.region"() ({
      %run_scoped3A_20 = tpu.sem_alloc : memref<!tpu.dma_semaphore, #tpu.memory_space<semaphore_mem>>
      %dma_start3A = arith.constant 0 : i32
      %dma_start3A_21 = tpu.memref_slice %arg7[%add3A_8, %dma_start3A] : memref<10240x8xf32, #tpu.memory_space<vmem_shared>> -> memref<128x8xf32, #tpu.memory_space<vmem_shared>>
      %dma_start3A_22 = arith.constant 0 : i32
      %dma_start3A_23 = tpu.memref_slice %arg7[%add3A_8, %dma_start3A_22] : memref<10240x8xf32, #tpu.memory_space<vmem_shared>> -> memref<128x8xf32, #tpu.memory_space<vmem_shared>>
      tpu.enqueue_dma source(%arg6 : memref<128x8xf32, #tpu.memory_space<vmem>>) target(%dma_start3A_23 : memref<128x8xf32, #tpu.memory_space<vmem_shared>>) target_semaphore(%run_scoped3A_20 : memref<!tpu.dma_semaphore, #tpu.memory_space<semaphore_mem>>)
      %dma_wait3A = arith.constant 0 : i32
      %dma_wait3A_24 = tpu.memref_slice %arg7[%add3A_8, %dma_wait3A] : memref<10240x8xf32, #tpu.memory_space<vmem_shared>> -> memref<128x8xf32, #tpu.memory_space<vmem_shared>>
      %dma_wait3A_25 = arith.constant 0 : i32
      %dma_wait3A_26 = tpu.memref_slice %arg7[%add3A_8, %dma_wait3A_25] : memref<10240x8xf32, #tpu.memory_space<vmem_shared>> -> memref<128x8xf32, #tpu.memory_space<vmem_shared>>
      tpu.wait_dma2 semaphore(%run_scoped3A_20 : memref<!tpu.dma_semaphore, #tpu.memory_space<semaphore_mem>>) src(%arg6 : memref<128x8xf32, #tpu.memory_space<vmem>>) dst(%dma_wait3A_26 : memref<128x8xf32, #tpu.memory_space<vmem_shared>>)
      tpu.yield
    }) : () -> ()
    %add3A_9 = arith.constant 384 : i32
    %add3A_10 = arith.addi %mul3A_2, %add3A_9 : i32
    "tpu.region"() ({
      %run_scoped3A_20 = tpu.sem_alloc : memref<!tpu.dma_semaphore, #tpu.memory_space<semaphore_mem>>
      %dma_start3A = arith.constant 0 : i32
      %dma_start3A_21 = tpu.memref_slice %arg7[%add3A_10, %dma_start3A] : memref<10240x8xf32, #tpu.memory_space<vmem_shared>> -> memref<128x8xf32, #tpu.memory_space<vmem_shared>>
      %dma_start3A_22 = arith.constant 0 : i32
      %dma_start3A_23 = tpu.memref_slice %arg7[%add3A_10, %dma_start3A_22] : memref<10240x8xf32, #tpu.memory_space<vmem_shared>> -> memref<128x8xf32, #tpu.memory_space<vmem_shared>>
      tpu.enqueue_dma source(%arg6 : memref<128x8xf32, #tpu.memory_space<vmem>>) target(%dma_start3A_23 : memref<128x8xf32, #tpu.memory_space<vmem_shared>>) target_semaphore(%run_scoped3A_20 : memref<!tpu.dma_semaphore, #tpu.memory_space<semaphore_mem>>)
      %dma_wait3A = arith.constant 0 : i32
      %dma_wait3A_24 = tpu.memref_slice %arg7[%add3A_10, %dma_wait3A] : memref<10240x8xf32, #tpu.memory_space<vmem_shared>> -> memref<128x8xf32, #tpu.memory_space<vmem_shared>>
      %dma_wait3A_25 = arith.constant 0 : i32
      %dma_wait3A_26 = tpu.memref_slice %arg7[%add3A_10, %dma_wait3A_25] : memref<10240x8xf32, #tpu.memory_space<vmem_shared>> -> memref<128x8xf32, #tpu.memory_space<vmem_shared>>
      tpu.wait_dma2 semaphore(%run_scoped3A_20 : memref<!tpu.dma_semaphore, #tpu.memory_space<semaphore_mem>>) src(%arg6 : memref<128x8xf32, #tpu.memory_space<vmem>>) dst(%dma_wait3A_26 : memref<128x8xf32, #tpu.memory_space<vmem_shared>>)
      tpu.yield
    }) : () -> ()
    %add3A_11 = arith.constant 512 : i32
    %add3A_12 = arith.addi %mul3A_2, %add3A_11 : i32
    "tpu.region"() ({
      %run_scoped3A_20 = tpu.sem_alloc : memref<!tpu.dma_semaphore, #tpu.memory_space<semaphore_mem>>
      %dma_start3A = arith.constant 0 : i32
      %dma_start3A_21 = tpu.memref_slice %arg7[%add3A_12, %dma_start3A] : memref<10240x8xf32, #tpu.memory_space<vmem_shared>> -> memref<128x8xf32, #tpu.memory_space<vmem_shared>>
      %dma_start3A_22 = arith.constant 0 : i32
      %dma_start3A_23 = tpu.memref_slice %arg7[%add3A_12, %dma_start3A_22] : memref<10240x8xf32, #tpu.memory_space<vmem_shared>> -> memref<128x8xf32, #tpu.memory_space<vmem_shared>>
      tpu.enqueue_dma source(%arg6 : memref<128x8xf32, #tpu.memory_space<vmem>>) target(%dma_start3A_23 : memref<128x8xf32, #tpu.memory_space<vmem_shared>>) target_semaphore(%run_scoped3A_20 : memref<!tpu.dma_semaphore, #tpu.memory_space<semaphore_mem>>)
      %dma_wait3A = arith.constant 0 : i32
      %dma_wait3A_24 = tpu.memref_slice %arg7[%add3A_12, %dma_wait3A] : memref<10240x8xf32, #tpu.memory_space<vmem_shared>> -> memref<128x8xf32, #tpu.memory_space<vmem_shared>>
      %dma_wait3A_25 = arith.constant 0 : i32
      %dma_wait3A_26 = tpu.memref_slice %arg7[%add3A_12, %dma_wait3A_25] : memref<10240x8xf32, #tpu.memory_space<vmem_shared>> -> memref<128x8xf32, #tpu.memory_space<vmem_shared>>
      tpu.wait_dma2 semaphore(%run_scoped3A_20 : memref<!tpu.dma_semaphore, #tpu.memory_space<semaphore_mem>>) src(%arg6 : memref<128x8xf32, #tpu.memory_space<vmem>>) dst(%dma_wait3A_26 : memref<128x8xf32, #tpu.memory_space<vmem_shared>>)
      tpu.yield
    }) : () -> ()
    %run_scoped3A_13 = arith.constant 1 : i32
    "tpu.region"() ({
      %run_scoped3A_20 = tpu.sem_alloc : memref<!tpu.dma_semaphore, #tpu.memory_space<semaphore_mem>>
      %dma_start3A = arith.constant 0 : i32
      %dma_start3A_21 = arith.constant 0 : i32
      %dma_start3A_22 = tpu.memref_slice %arg3[%run_scoped3A_13, %dma_start3A, %dma_start3A_21] : memref<2x128x8xf32, #tpu.memory_space<hbm>> -> memref<1x128x8xf32, #tpu.memory_space<hbm>>
      %dma_start3A_23 = tpu.memref_squeeze %dma_start3A_22 : memref<1x128x8xf32, #tpu.memory_space<hbm>> -> memref<128x8xf32, #tpu.memory_space<hbm>>
      %dma_start3A_24 = arith.constant 0 : i32
      %dma_start3A_25 = arith.constant 0 : i32
      %dma_start3A_26 = tpu.memref_slice %arg3[%run_scoped3A_13, %dma_start3A_24, %dma_start3A_25] : memref<2x128x8xf32, #tpu.memory_space<hbm>> -> memref<1x128x8xf32, #tpu.memory_space<hbm>>
      %dma_start3A_27 = tpu.memref_squeeze %dma_start3A_26 : memref<1x128x8xf32, #tpu.memory_space<hbm>> -> memref<128x8xf32, #tpu.memory_space<hbm>>
      tpu.enqueue_dma source(%dma_start3A_27 : memref<128x8xf32, #tpu.memory_space<hbm>>) target(%arg6 : memref<128x8xf32, #tpu.memory_space<vmem>>) target_semaphore(%run_scoped3A_20 : memref<!tpu.dma_semaphore, #tpu.memory_space<semaphore_mem>>)
      %dma_wait3A = arith.constant 0 : i32
      %dma_wait3A_28 = arith.constant 0 : i32
      %dma_wait3A_29 = tpu.memref_slice %arg3[%run_scoped3A_13, %dma_wait3A, %dma_wait3A_28] : memref<2x128x8xf32, #tpu.memory_space<hbm>> -> memref<1x128x8xf32, #tpu.memory_space<hbm>>
      %dma_wait3A_30 = tpu.memref_squeeze %dma_wait3A_29 : memref<1x128x8xf32, #tpu.memory_space<hbm>> -> memref<128x8xf32, #tpu.memory_space<hbm>>
      %dma_wait3A_31 = arith.constant 0 : i32
      %dma_wait3A_32 = arith.constant 0 : i32
      %dma_wait3A_33 = tpu.memref_slice %arg3[%run_scoped3A_13, %dma_wait3A_31, %dma_wait3A_32] : memref<2x128x8xf32, #tpu.memory_space<hbm>> -> memref<1x128x8xf32, #tpu.memory_space<hbm>>
      %dma_wait3A_34 = tpu.memref_squeeze %dma_wait3A_33 : memref<1x128x8xf32, #tpu.memory_space<hbm>> -> memref<128x8xf32, #tpu.memory_space<hbm>>
      tpu.wait_dma2 semaphore(%run_scoped3A_20 : memref<!tpu.dma_semaphore, #tpu.memory_space<semaphore_mem>>) src(%dma_wait3A_34 : memref<128x8xf32, #tpu.memory_space<hbm>>) dst(%arg6 : memref<128x8xf32, #tpu.memory_space<vmem>>)
      tpu.yield
    }) : () -> ()
    %barrier3A = arith.constant 0 : index
    tpu.barrier barrier_id(%barrier3A)
    %scan3A = arith.constant 0 : i32
    %scan3A_14 = arith.constant 0 : i32
    %scan3A_15 = arith.constant 80 : i32
    %scan3A_16 = arith.addi %scan3A_14, %scan3A_15 : i32
    %scan3A_17 = arith.constant 1 : i32
    scf.for %scan3A_20 = %scan3A_14 to %scan3A_16 step %scan3A_17  : i32 {
      "tpu.region"() ({
        %run_scoped3A_21 = tpu.sem_alloc : memref<!tpu.dma_semaphore, #tpu.memory_space<semaphore_mem>>
        %dma_start3A = arith.constant 0 : i32
        %dma_start3A_22 = tpu.memref_slice %arg5[%scan3A_20, %dma_start3A] : memref<80x128xi32, #tpu.memory_space<vmem>> -> memref<1x128xi32, #tpu.memory_space<vmem>>
        %dma_start3A_23 = tpu.memref_squeeze %dma_start3A_22 : memref<1x128xi32, #tpu.memory_space<vmem>> -> memref<128xi32, #tpu.memory_space<vmem>>
        %dma_start3A_24 = arith.constant 0 : i32
        %dma_start3A_25 = arith.constant 0 : i32
        %dma_start3A_26 = tpu.memref_slice %arg7[%dma_start3A_24, %dma_start3A_25] : memref<10240x8xf32, #tpu.memory_space<vmem_shared>> -> memref<10240x8xf32, #tpu.memory_space<vmem_shared>>
        tpu.enqueue_indirect_dma source(%arg6 : memref<128x8xf32, #tpu.memory_space<vmem>>) target(%dma_start3A_26 : memref<10240x8xf32, #tpu.memory_space<vmem_shared>>) offsets(%dma_start3A_23 : memref<128xi32, #tpu.memory_space<vmem>>) semaphore(%run_scoped3A_21 : memref<!tpu.dma_semaphore, #tpu.memory_space<semaphore_mem>>) {add = true}
        %dma_wait3A = arith.constant 0 : i32
        %dma_wait3A_27 = tpu.memref_slice %arg5[%scan3A_20, %dma_wait3A] : memref<80x128xi32, #tpu.memory_space<vmem>> -> memref<1x128xi32, #tpu.memory_space<vmem>>
        %dma_wait3A_28 = tpu.memref_squeeze %dma_wait3A_27 : memref<1x128xi32, #tpu.memory_space<vmem>> -> memref<128xi32, #tpu.memory_space<vmem>>
        %dma_wait3A_29 = arith.constant 0 : i32
        %dma_wait3A_30 = arith.constant 0 : i32
        %dma_wait3A_31 = tpu.memref_slice %arg7[%dma_wait3A_29, %dma_wait3A_30] : memref<10240x8xf32, #tpu.memory_space<vmem_shared>> -> memref<10240x8xf32, #tpu.memory_space<vmem_shared>>
        tpu.wait_indirect_dma semaphore(%run_scoped3A_21 : memref<!tpu.dma_semaphore, #tpu.memory_space<semaphore_mem>>) src(%arg6 : memref<128x8xf32, #tpu.memory_space<vmem>>) dst(%dma_wait3A_31 : memref<10240x8xf32, #tpu.memory_space<vmem_shared>>)
        tpu.yield
      }) : () -> ()
    }
    %scan3A_18 = arith.constant 80 : i32
    %barrier3A_19 = arith.constant 0 : index
    tpu.barrier barrier_id(%barrier3A_19)
    "tpu.region"() ({
      %run_scoped3A_20 = tpu.sem_alloc : memref<!tpu.dma_semaphore, #tpu.memory_space<semaphore_mem>>
      %dma_start3A = arith.constant 0 : i32
      %dma_start3A_21 = arith.constant 0 : i32
      %dma_start3A_22 = tpu.memref_slice %arg4[%arg0, %dma_start3A, %dma_start3A_21] : memref<2x10240x8xf32, #tpu.memory_space<hbm>> -> memref<1x10240x8xf32, #tpu.memory_space<hbm>>
      %dma_start3A_23 = tpu.memref_squeeze %dma_start3A_22 : memref<1x10240x8xf32, #tpu.memory_space<hbm>> -> memref<10240x8xf32, #tpu.memory_space<hbm>>
      %dma_start3A_24 = arith.constant 0 : i32
      %dma_start3A_25 = tpu.memref_slice %dma_start3A_23[%mul3A_2, %dma_start3A_24] : memref<10240x8xf32, #tpu.memory_space<hbm>> -> memref<640x8xf32, #tpu.memory_space<hbm>>
      %dma_start3A_26 = arith.constant 0 : i32
      %dma_start3A_27 = tpu.memref_slice %arg7[%mul3A_2, %dma_start3A_26] : memref<10240x8xf32, #tpu.memory_space<vmem_shared>> -> memref<640x8xf32, #tpu.memory_space<vmem_shared>>
      tpu.enqueue_dma source(%dma_start3A_27 : memref<640x8xf32, #tpu.memory_space<vmem_shared>>) target(%dma_start3A_25 : memref<640x8xf32, #tpu.memory_space<hbm>>) target_semaphore(%run_scoped3A_20 : memref<!tpu.dma_semaphore, #tpu.memory_space<semaphore_mem>>)
      %dma_wait3A = arith.constant 0 : i32
      %dma_wait3A_28 = arith.constant 0 : i32
      %dma_wait3A_29 = tpu.memref_slice %arg4[%arg0, %dma_wait3A, %dma_wait3A_28] : memref<2x10240x8xf32, #tpu.memory_space<hbm>> -> memref<1x10240x8xf32, #tpu.memory_space<hbm>>
      %dma_wait3A_30 = tpu.memref_squeeze %dma_wait3A_29 : memref<1x10240x8xf32, #tpu.memory_space<hbm>> -> memref<10240x8xf32, #tpu.memory_space<hbm>>
      %dma_wait3A_31 = arith.constant 0 : i32
      %dma_wait3A_32 = tpu.memref_slice %dma_wait3A_30[%mul3A_2, %dma_wait3A_31] : memref<10240x8xf32, #tpu.memory_space<hbm>> -> memref<640x8xf32, #tpu.memory_space<hbm>>
      %dma_wait3A_33 = arith.constant 0 : i32
      %dma_wait3A_34 = tpu.memref_slice %arg7[%mul3A_2, %dma_wait3A_33] : memref<10240x8xf32, #tpu.memory_space<vmem_shared>> -> memref<640x8xf32, #tpu.memory_space<vmem_shared>>
      tpu.wait_dma2 semaphore(%run_scoped3A_20 : memref<!tpu.dma_semaphore, #tpu.memory_space<semaphore_mem>>) src(%dma_wait3A_34 : memref<640x8xf32, #tpu.memory_space<vmem_shared>>) dst(%dma_wait3A_32 : memref<640x8xf32, #tpu.memory_space<hbm>>)
      tpu.yield
    }) : () -> ()
    return
  }
}

#map = affine_map<(d0, d1) -> (0, 0)>
#map1 = affine_map<(d0, d1) -> (0, 0, 0)>
module attributes {stable_mosaic.version = 14 : i64} {
  func.func @body(%arg0: i32, %arg1: i32, %arg2: memref<10240x128xf32, #tpu.memory_space<hbm>>, %arg3: memref<32x80x128xi32, #tpu.memory_space<hbm>>, %arg4: memref<32x80x128xi32, #tpu.memory_space<hbm>>, %arg5: memref<2x10240x128xf32, #tpu.memory_space<hbm>>, %arg6: memref<80x128xi32, #tpu.memory_space<vmem>>, %arg7: memref<80x128xi32, #tpu.memory_space<vmem>>, %arg8: memref<128x128xf32, #tpu.memory_space<vmem>>, %arg9: memref<10240x128xf32, #tpu.memory_space<vmem_shared>>, %arg10: memref<!tpu.dma_semaphore, #tpu.memory_space<semaphore_mem>>) attributes {dimension_semantics = [#tpu.dimension_semantics<core_parallel>, #tpu.dimension_semantics<subcore_parallel>], iteration_bounds = array<i64: 2, 16>, scalar_prefetch = 0 : i64, scratch_operands = 5 : i64, tpu.core_type = #tpu.core_type<sc_vector_subcore>, window_params = [{transform_indices = #map}, {transform_indices = #map1}, {transform_indices = #map1}, {transform_indices = #map1}]} {
    %mul3A = arith.constant 16 : i32
    %mul3A_0 = arith.muli %arg0, %mul3A : i32
    %add3A = arith.addi %mul3A_0, %arg1 : i32
    "tpu.region"() ({
      %run_scoped3A = tpu.sem_alloc : memref<!tpu.dma_semaphore, #tpu.memory_space<semaphore_mem>>
      %dma_start3A = arith.constant 0 : i32
      %dma_start3A_26 = arith.constant 0 : i32
      %dma_start3A_27 = tpu.memref_slice %arg3[%add3A, %dma_start3A, %dma_start3A_26] : memref<32x80x128xi32, #tpu.memory_space<hbm>> -> memref<1x80x128xi32, #tpu.memory_space<hbm>>
      %dma_start3A_28 = tpu.memref_squeeze %dma_start3A_27 : memref<1x80x128xi32, #tpu.memory_space<hbm>> -> memref<80x128xi32, #tpu.memory_space<hbm>>
      %dma_start3A_29 = arith.constant 0 : i32
      %dma_start3A_30 = arith.constant 0 : i32
      %dma_start3A_31 = tpu.memref_slice %arg3[%add3A, %dma_start3A_29, %dma_start3A_30] : memref<32x80x128xi32, #tpu.memory_space<hbm>> -> memref<1x80x128xi32, #tpu.memory_space<hbm>>
      %dma_start3A_32 = tpu.memref_squeeze %dma_start3A_31 : memref<1x80x128xi32, #tpu.memory_space<hbm>> -> memref<80x128xi32, #tpu.memory_space<hbm>>
      tpu.enqueue_dma source(%dma_start3A_32 : memref<80x128xi32, #tpu.memory_space<hbm>>) target(%arg6 : memref<80x128xi32, #tpu.memory_space<vmem>>) target_semaphore(%run_scoped3A : memref<!tpu.dma_semaphore, #tpu.memory_space<semaphore_mem>>)
      %dma_wait3A = arith.constant 0 : i32
      %dma_wait3A_33 = arith.constant 0 : i32
      %dma_wait3A_34 = tpu.memref_slice %arg3[%add3A, %dma_wait3A, %dma_wait3A_33] : memref<32x80x128xi32, #tpu.memory_space<hbm>> -> memref<1x80x128xi32, #tpu.memory_space<hbm>>
      %dma_wait3A_35 = tpu.memref_squeeze %dma_wait3A_34 : memref<1x80x128xi32, #tpu.memory_space<hbm>> -> memref<80x128xi32, #tpu.memory_space<hbm>>
      %dma_wait3A_36 = arith.constant 0 : i32
      %dma_wait3A_37 = arith.constant 0 : i32
      %dma_wait3A_38 = tpu.memref_slice %arg3[%add3A, %dma_wait3A_36, %dma_wait3A_37] : memref<32x80x128xi32, #tpu.memory_space<hbm>> -> memref<1x80x128xi32, #tpu.memory_space<hbm>>
      %dma_wait3A_39 = tpu.memref_squeeze %dma_wait3A_38 : memref<1x80x128xi32, #tpu.memory_space<hbm>> -> memref<80x128xi32, #tpu.memory_space<hbm>>
      tpu.wait_dma2 semaphore(%run_scoped3A : memref<!tpu.dma_semaphore, #tpu.memory_space<semaphore_mem>>) src(%dma_wait3A_39 : memref<80x128xi32, #tpu.memory_space<hbm>>) dst(%arg6 : memref<80x128xi32, #tpu.memory_space<vmem>>)
      tpu.yield
    }) : () -> ()
    "tpu.region"() ({
      %run_scoped3A = tpu.sem_alloc : memref<!tpu.dma_semaphore, #tpu.memory_space<semaphore_mem>>
      %dma_start3A = arith.constant 0 : i32
      %dma_start3A_26 = arith.constant 0 : i32
      %dma_start3A_27 = tpu.memref_slice %arg4[%add3A, %dma_start3A, %dma_start3A_26] : memref<32x80x128xi32, #tpu.memory_space<hbm>> -> memref<1x80x128xi32, #tpu.memory_space<hbm>>
      %dma_start3A_28 = tpu.memref_squeeze %dma_start3A_27 : memref<1x80x128xi32, #tpu.memory_space<hbm>> -> memref<80x128xi32, #tpu.memory_space<hbm>>
      %dma_start3A_29 = arith.constant 0 : i32
      %dma_start3A_30 = arith.constant 0 : i32
      %dma_start3A_31 = tpu.memref_slice %arg4[%add3A, %dma_start3A_29, %dma_start3A_30] : memref<32x80x128xi32, #tpu.memory_space<hbm>> -> memref<1x80x128xi32, #tpu.memory_space<hbm>>
      %dma_start3A_32 = tpu.memref_squeeze %dma_start3A_31 : memref<1x80x128xi32, #tpu.memory_space<hbm>> -> memref<80x128xi32, #tpu.memory_space<hbm>>
      tpu.enqueue_dma source(%dma_start3A_32 : memref<80x128xi32, #tpu.memory_space<hbm>>) target(%arg7 : memref<80x128xi32, #tpu.memory_space<vmem>>) target_semaphore(%run_scoped3A : memref<!tpu.dma_semaphore, #tpu.memory_space<semaphore_mem>>)
      %dma_wait3A = arith.constant 0 : i32
      %dma_wait3A_33 = arith.constant 0 : i32
      %dma_wait3A_34 = tpu.memref_slice %arg4[%add3A, %dma_wait3A, %dma_wait3A_33] : memref<32x80x128xi32, #tpu.memory_space<hbm>> -> memref<1x80x128xi32, #tpu.memory_space<hbm>>
      %dma_wait3A_35 = tpu.memref_squeeze %dma_wait3A_34 : memref<1x80x128xi32, #tpu.memory_space<hbm>> -> memref<80x128xi32, #tpu.memory_space<hbm>>
      %dma_wait3A_36 = arith.constant 0 : i32
      %dma_wait3A_37 = arith.constant 0 : i32
      %dma_wait3A_38 = tpu.memref_slice %arg4[%add3A, %dma_wait3A_36, %dma_wait3A_37] : memref<32x80x128xi32, #tpu.memory_space<hbm>> -> memref<1x80x128xi32, #tpu.memory_space<hbm>>
      %dma_wait3A_39 = tpu.memref_squeeze %dma_wait3A_38 : memref<1x80x128xi32, #tpu.memory_space<hbm>> -> memref<80x128xi32, #tpu.memory_space<hbm>>
      tpu.wait_dma2 semaphore(%run_scoped3A : memref<!tpu.dma_semaphore, #tpu.memory_space<semaphore_mem>>) src(%dma_wait3A_39 : memref<80x128xi32, #tpu.memory_space<hbm>>) dst(%arg7 : memref<80x128xi32, #tpu.memory_space<vmem>>)
      tpu.yield
    }) : () -> ()
    %broadcast_in_dim3A = arith.constant 0.000000e+00 : f32
    %broadcast_in_dim3A_1 = vector.broadcast %broadcast_in_dim3A : f32 to vector<16xf32>
    %scan3A = arith.constant 0 : i32
    %scan3A_2 = arith.constant 0 : i32
    %scan3A_3 = arith.constant 128 : i32
    %scan3A_4 = arith.addi %scan3A_2, %scan3A_3 : i32
    %scan3A_5 = arith.constant 1 : i32
    scf.for %scan3A_26 = %scan3A_2 to %scan3A_4 step %scan3A_5  : i32 {
      %swap3A = arith.index_cast %scan3A_26 : i32 to index
      %swap3A_27 = arith.constant 0 : index
      %swap3A_28 = tpu.vector_load %arg8[%swap3A, %swap3A_27] {strides = array<i32>} : memref<128x128xf32, #tpu.memory_space<vmem>>, vector<1x16xf32>,
      %swap3A_29 = vector.shape_cast %swap3A_28 : vector<1x16xf32> to vector<16xf32>
      %swap3A_30 = vector.shape_cast %broadcast_in_dim3A_1 : vector<16xf32> to vector<1x16xf32>
      tpu.vector_store %arg8[%swap3A, %swap3A_27], %swap3A_30 {strides = array<i32>} : memref<128x128xf32, #tpu.memory_space<vmem>>, vector<1x16xf32>,
      %swap3A_31 = arith.index_cast %scan3A_26 : i32 to index
      %swap3A_32 = arith.constant 16 : index
      %swap3A_33 = tpu.vector_load %arg8[%swap3A_31, %swap3A_32] {strides = array<i32>} : memref<128x128xf32, #tpu.memory_space<vmem>>, vector<1x16xf32>,
      %swap3A_34 = vector.shape_cast %swap3A_33 : vector<1x16xf32> to vector<16xf32>
      %swap3A_35 = vector.shape_cast %broadcast_in_dim3A_1 : vector<16xf32> to vector<1x16xf32>
      tpu.vector_store %arg8[%swap3A_31, %swap3A_32], %swap3A_35 {strides = array<i32>} : memref<128x128xf32, #tpu.memory_space<vmem>>, vector<1x16xf32>,
      %swap3A_36 = arith.index_cast %scan3A_26 : i32 to index
      %swap3A_37 = arith.constant 32 : index
      %swap3A_38 = tpu.vector_load %arg8[%swap3A_36, %swap3A_37] {strides = array<i32>} : memref<128x128xf32, #tpu.memory_space<vmem>>, vector<1x16xf32>,
      %swap3A_39 = vector.shape_cast %swap3A_38 : vector<1x16xf32> to vector<16xf32>
      %swap3A_40 = vector.shape_cast %broadcast_in_dim3A_1 : vector<16xf32> to vector<1x16xf32>
      tpu.vector_store %arg8[%swap3A_36, %swap3A_37], %swap3A_40 {strides = array<i32>} : memref<128x128xf32, #tpu.memory_space<vmem>>, vector<1x16xf32>,
      %swap3A_41 = arith.index_cast %scan3A_26 : i32 to index
      %swap3A_42 = arith.constant 48 : index
      %swap3A_43 = tpu.vector_load %arg8[%swap3A_41, %swap3A_42] {strides = array<i32>} : memref<128x128xf32, #tpu.memory_space<vmem>>, vector<1x16xf32>,
      %swap3A_44 = vector.shape_cast %swap3A_43 : vector<1x16xf32> to vector<16xf32>
      %swap3A_45 = vector.shape_cast %broadcast_in_dim3A_1 : vector<16xf32> to vector<1x16xf32>
      tpu.vector_store %arg8[%swap3A_41, %swap3A_42], %swap3A_45 {strides = array<i32>} : memref<128x128xf32, #tpu.memory_space<vmem>>, vector<1x16xf32>,
      %swap3A_46 = arith.index_cast %scan3A_26 : i32 to index
      %swap3A_47 = arith.constant 64 : index
      %swap3A_48 = tpu.vector_load %arg8[%swap3A_46, %swap3A_47] {strides = array<i32>} : memref<128x128xf32, #tpu.memory_space<vmem>>, vector<1x16xf32>,
      %swap3A_49 = vector.shape_cast %swap3A_48 : vector<1x16xf32> to vector<16xf32>
      %swap3A_50 = vector.shape_cast %broadcast_in_dim3A_1 : vector<16xf32> to vector<1x16xf32>
      tpu.vector_store %arg8[%swap3A_46, %swap3A_47], %swap3A_50 {strides = array<i32>} : memref<128x128xf32, #tpu.memory_space<vmem>>, vector<1x16xf32>,
      %swap3A_51 = arith.index_cast %scan3A_26 : i32 to index
      %swap3A_52 = arith.constant 80 : index
      %swap3A_53 = tpu.vector_load %arg8[%swap3A_51, %swap3A_52] {strides = array<i32>} : memref<128x128xf32, #tpu.memory_space<vmem>>, vector<1x16xf32>,
      %swap3A_54 = vector.shape_cast %swap3A_53 : vector<1x16xf32> to vector<16xf32>
      %swap3A_55 = vector.shape_cast %broadcast_in_dim3A_1 : vector<16xf32> to vector<1x16xf32>
      tpu.vector_store %arg8[%swap3A_51, %swap3A_52], %swap3A_55 {strides = array<i32>} : memref<128x128xf32, #tpu.memory_space<vmem>>, vector<1x16xf32>,
      %swap3A_56 = arith.index_cast %scan3A_26 : i32 to index
      %swap3A_57 = arith.constant 96 : index
      %swap3A_58 = tpu.vector_load %arg8[%swap3A_56, %swap3A_57] {strides = array<i32>} : memref<128x128xf32, #tpu.memory_space<vmem>>, vector<1x16xf32>,
      %swap3A_59 = vector.shape_cast %swap3A_58 : vector<1x16xf32> to vector<16xf32>
      %swap3A_60 = vector.shape_cast %broadcast_in_dim3A_1 : vector<16xf32> to vector<1x16xf32>
      tpu.vector_store %arg8[%swap3A_56, %swap3A_57], %swap3A_60 {strides = array<i32>} : memref<128x128xf32, #tpu.memory_space<vmem>>, vector<1x16xf32>,
      %swap3A_61 = arith.index_cast %scan3A_26 : i32 to index
      %swap3A_62 = arith.constant 112 : index
      %swap3A_63 = tpu.vector_load %arg8[%swap3A_61, %swap3A_62] {strides = array<i32>} : memref<128x128xf32, #tpu.memory_space<vmem>>, vector<1x16xf32>,
      %swap3A_64 = vector.shape_cast %swap3A_63 : vector<1x16xf32> to vector<16xf32>
      %swap3A_65 = vector.shape_cast %broadcast_in_dim3A_1 : vector<16xf32> to vector<1x16xf32>
      tpu.vector_store %arg8[%swap3A_61, %swap3A_62], %swap3A_65 {strides = array<i32>} : memref<128x128xf32, #tpu.memory_space<vmem>>, vector<1x16xf32>,
    }
    %scan3A_6 = arith.constant 128 : i32
    %mul3A_7 = arith.constant 640 : i32
    %mul3A_8 = arith.muli %arg1, %mul3A_7 : i32
    %add3A_9 = arith.constant 0 : i32
    %add3A_10 = arith.addi %mul3A_8, %add3A_9 : i32
    "tpu.region"() ({
      %run_scoped3A = tpu.sem_alloc : memref<!tpu.dma_semaphore, #tpu.memory_space<semaphore_mem>>
      %dma_start3A = arith.constant 0 : i32
      %dma_start3A_26 = tpu.memref_slice %arg9[%add3A_10, %dma_start3A] : memref<10240x128xf32, #tpu.memory_space<vmem_shared>> -> memref<128x128xf32, #tpu.memory_space<vmem_shared>>
      %dma_start3A_27 = arith.constant 0 : i32
      %dma_start3A_28 = tpu.memref_slice %arg9[%add3A_10, %dma_start3A_27] : memref<10240x128xf32, #tpu.memory_space<vmem_shared>> -> memref<128x128xf32, #tpu.memory_space<vmem_shared>>
      tpu.enqueue_dma source(%arg8 : memref<128x128xf32, #tpu.memory_space<vmem>>) target(%dma_start3A_28 : memref<128x128xf32, #tpu.memory_space<vmem_shared>>) target_semaphore(%run_scoped3A : memref<!tpu.dma_semaphore, #tpu.memory_space<semaphore_mem>>)
      %dma_wait3A = arith.constant 0 : i32
      %dma_wait3A_29 = tpu.memref_slice %arg9[%add3A_10, %dma_wait3A] : memref<10240x128xf32, #tpu.memory_space<vmem_shared>> -> memref<128x128xf32, #tpu.memory_space<vmem_shared>>
      %dma_wait3A_30 = arith.constant 0 : i32
      %dma_wait3A_31 = tpu.memref_slice %arg9[%add3A_10, %dma_wait3A_30] : memref<10240x128xf32, #tpu.memory_space<vmem_shared>> -> memref<128x128xf32, #tpu.memory_space<vmem_shared>>
      tpu.wait_dma2 semaphore(%run_scoped3A : memref<!tpu.dma_semaphore, #tpu.memory_space<semaphore_mem>>) src(%arg8 : memref<128x128xf32, #tpu.memory_space<vmem>>) dst(%dma_wait3A_31 : memref<128x128xf32, #tpu.memory_space<vmem_shared>>)
      tpu.yield
    }) : () -> ()
    %add3A_11 = arith.constant 128 : i32
    %add3A_12 = arith.addi %mul3A_8, %add3A_11 : i32
    "tpu.region"() ({
      %run_scoped3A = tpu.sem_alloc : memref<!tpu.dma_semaphore, #tpu.memory_space<semaphore_mem>>
      %dma_start3A = arith.constant 0 : i32
      %dma_start3A_26 = tpu.memref_slice %arg9[%add3A_12, %dma_start3A] : memref<10240x128xf32, #tpu.memory_space<vmem_shared>> -> memref<128x128xf32, #tpu.memory_space<vmem_shared>>
      %dma_start3A_27 = arith.constant 0 : i32
      %dma_start3A_28 = tpu.memref_slice %arg9[%add3A_12, %dma_start3A_27] : memref<10240x128xf32, #tpu.memory_space<vmem_shared>> -> memref<128x128xf32, #tpu.memory_space<vmem_shared>>
      tpu.enqueue_dma source(%arg8 : memref<128x128xf32, #tpu.memory_space<vmem>>) target(%dma_start3A_28 : memref<128x128xf32, #tpu.memory_space<vmem_shared>>) target_semaphore(%run_scoped3A : memref<!tpu.dma_semaphore, #tpu.memory_space<semaphore_mem>>)
      %dma_wait3A = arith.constant 0 : i32
      %dma_wait3A_29 = tpu.memref_slice %arg9[%add3A_12, %dma_wait3A] : memref<10240x128xf32, #tpu.memory_space<vmem_shared>> -> memref<128x128xf32, #tpu.memory_space<vmem_shared>>
      %dma_wait3A_30 = arith.constant 0 : i32
      %dma_wait3A_31 = tpu.memref_slice %arg9[%add3A_12, %dma_wait3A_30] : memref<10240x128xf32, #tpu.memory_space<vmem_shared>> -> memref<128x128xf32, #tpu.memory_space<vmem_shared>>
      tpu.wait_dma2 semaphore(%run_scoped3A : memref<!tpu.dma_semaphore, #tpu.memory_space<semaphore_mem>>) src(%arg8 : memref<128x128xf32, #tpu.memory_space<vmem>>) dst(%dma_wait3A_31 : memref<128x128xf32, #tpu.memory_space<vmem_shared>>)
      tpu.yield
    }) : () -> ()
    %add3A_13 = arith.constant 256 : i32
    %add3A_14 = arith.addi %mul3A_8, %add3A_13 : i32
    "tpu.region"() ({
      %run_scoped3A = tpu.sem_alloc : memref<!tpu.dma_semaphore, #tpu.memory_space<semaphore_mem>>
      %dma_start3A = arith.constant 0 : i32
      %dma_start3A_26 = tpu.memref_slice %arg9[%add3A_14, %dma_start3A] : memref<10240x128xf32, #tpu.memory_space<vmem_shared>> -> memref<128x128xf32, #tpu.memory_space<vmem_shared>>
      %dma_start3A_27 = arith.constant 0 : i32
      %dma_start3A_28 = tpu.memref_slice %arg9[%add3A_14, %dma_start3A_27] : memref<10240x128xf32, #tpu.memory_space<vmem_shared>> -> memref<128x128xf32, #tpu.memory_space<vmem_shared>>
      tpu.enqueue_dma source(%arg8 : memref<128x128xf32, #tpu.memory_space<vmem>>) target(%dma_start3A_28 : memref<128x128xf32, #tpu.memory_space<vmem_shared>>) target_semaphore(%run_scoped3A : memref<!tpu.dma_semaphore, #tpu.memory_space<semaphore_mem>>)
      %dma_wait3A = arith.constant 0 : i32
      %dma_wait3A_29 = tpu.memref_slice %arg9[%add3A_14, %dma_wait3A] : memref<10240x128xf32, #tpu.memory_space<vmem_shared>> -> memref<128x128xf32, #tpu.memory_space<vmem_shared>>
      %dma_wait3A_30 = arith.constant 0 : i32
      %dma_wait3A_31 = tpu.memref_slice %arg9[%add3A_14, %dma_wait3A_30] : memref<10240x128xf32, #tpu.memory_space<vmem_shared>> -> memref<128x128xf32, #tpu.memory_space<vmem_shared>>
      tpu.wait_dma2 semaphore(%run_scoped3A : memref<!tpu.dma_semaphore, #tpu.memory_space<semaphore_mem>>) src(%arg8 : memref<128x128xf32, #tpu.memory_space<vmem>>) dst(%dma_wait3A_31 : memref<128x128xf32, #tpu.memory_space<vmem_shared>>)
      tpu.yield
    }) : () -> ()
    %add3A_15 = arith.constant 384 : i32
    %add3A_16 = arith.addi %mul3A_8, %add3A_15 : i32
    "tpu.region"() ({
      %run_scoped3A = tpu.sem_alloc : memref<!tpu.dma_semaphore, #tpu.memory_space<semaphore_mem>>
      %dma_start3A = arith.constant 0 : i32
      %dma_start3A_26 = tpu.memref_slice %arg9[%add3A_16, %dma_start3A] : memref<10240x128xf32, #tpu.memory_space<vmem_shared>> -> memref<128x128xf32, #tpu.memory_space<vmem_shared>>
      %dma_start3A_27 = arith.constant 0 : i32
      %dma_start3A_28 = tpu.memref_slice %arg9[%add3A_16, %dma_start3A_27] : memref<10240x128xf32, #tpu.memory_space<vmem_shared>> -> memref<128x128xf32, #tpu.memory_space<vmem_shared>>
      tpu.enqueue_dma source(%arg8 : memref<128x128xf32, #tpu.memory_space<vmem>>) target(%dma_start3A_28 : memref<128x128xf32, #tpu.memory_space<vmem_shared>>) target_semaphore(%run_scoped3A : memref<!tpu.dma_semaphore, #tpu.memory_space<semaphore_mem>>)
      %dma_wait3A = arith.constant 0 : i32
      %dma_wait3A_29 = tpu.memref_slice %arg9[%add3A_16, %dma_wait3A] : memref<10240x128xf32, #tpu.memory_space<vmem_shared>> -> memref<128x128xf32, #tpu.memory_space<vmem_shared>>
      %dma_wait3A_30 = arith.constant 0 : i32
      %dma_wait3A_31 = tpu.memref_slice %arg9[%add3A_16, %dma_wait3A_30] : memref<10240x128xf32, #tpu.memory_space<vmem_shared>> -> memref<128x128xf32, #tpu.memory_space<vmem_shared>>
      tpu.wait_dma2 semaphore(%run_scoped3A : memref<!tpu.dma_semaphore, #tpu.memory_space<semaphore_mem>>) src(%arg8 : memref<128x128xf32, #tpu.memory_space<vmem>>) dst(%dma_wait3A_31 : memref<128x128xf32, #tpu.memory_space<vmem_shared>>)
      tpu.yield
    }) : () -> ()
    %add3A_17 = arith.constant 512 : i32
    %add3A_18 = arith.addi %mul3A_8, %add3A_17 : i32
    "tpu.region"() ({
      %run_scoped3A = tpu.sem_alloc : memref<!tpu.dma_semaphore, #tpu.memory_space<semaphore_mem>>
      %dma_start3A = arith.constant 0 : i32
      %dma_start3A_26 = tpu.memref_slice %arg9[%add3A_18, %dma_start3A] : memref<10240x128xf32, #tpu.memory_space<vmem_shared>> -> memref<128x128xf32, #tpu.memory_space<vmem_shared>>
      %dma_start3A_27 = arith.constant 0 : i32
      %dma_start3A_28 = tpu.memref_slice %arg9[%add3A_18, %dma_start3A_27] : memref<10240x128xf32, #tpu.memory_space<vmem_shared>> -> memref<128x128xf32, #tpu.memory_space<vmem_shared>>
      tpu.enqueue_dma source(%arg8 : memref<128x128xf32, #tpu.memory_space<vmem>>) target(%dma_start3A_28 : memref<128x128xf32, #tpu.memory_space<vmem_shared>>) target_semaphore(%run_scoped3A : memref<!tpu.dma_semaphore, #tpu.memory_space<semaphore_mem>>)
      %dma_wait3A = arith.constant 0 : i32
      %dma_wait3A_29 = tpu.memref_slice %arg9[%add3A_18, %dma_wait3A] : memref<10240x128xf32, #tpu.memory_space<vmem_shared>> -> memref<128x128xf32, #tpu.memory_space<vmem_shared>>
      %dma_wait3A_30 = arith.constant 0 : i32
      %dma_wait3A_31 = tpu.memref_slice %arg9[%add3A_18, %dma_wait3A_30] : memref<10240x128xf32, #tpu.memory_space<vmem_shared>> -> memref<128x128xf32, #tpu.memory_space<vmem_shared>>
      tpu.wait_dma2 semaphore(%run_scoped3A : memref<!tpu.dma_semaphore, #tpu.memory_space<semaphore_mem>>) src(%arg8 : memref<128x128xf32, #tpu.memory_space<vmem>>) dst(%dma_wait3A_31 : memref<128x128xf32, #tpu.memory_space<vmem_shared>>)
      tpu.yield
    }) : () -> ()
    %barrier3A = arith.constant 0 : index
    tpu.barrier barrier_id(%barrier3A)
    %scan3A_19 = arith.constant 0 : i32
    %scan3A_20 = arith.constant 0 : i32
    %scan3A_21 = arith.constant 80 : i32
    %scan3A_22 = arith.addi %scan3A_20, %scan3A_21 : i32
    %scan3A_23 = arith.constant 1 : i32
    scf.for %scan3A_26 = %scan3A_20 to %scan3A_22 step %scan3A_23  : i32 {
      %dma_start3A = arith.constant 0 : i32
      %dma_start3A_27 = tpu.memref_slice %arg6[%scan3A_26, %dma_start3A] : memref<80x128xi32, #tpu.memory_space<vmem>> -> memref<1x128xi32, #tpu.memory_space<vmem>>
      %dma_start3A_28 = tpu.memref_squeeze %dma_start3A_27 : memref<1x128xi32, #tpu.memory_space<vmem>> -> memref<128xi32, #tpu.memory_space<vmem>>
      %dma_start3A_29 = arith.constant 0 : i32
      %dma_start3A_30 = arith.constant 0 : i32
      %dma_start3A_31 = tpu.memref_slice %arg2[%dma_start3A_29, %dma_start3A_30] : memref<10240x128xf32, #tpu.memory_space<hbm>> -> memref<10240x128xf32, #tpu.memory_space<hbm>>
      tpu.enqueue_indirect_dma source(%dma_start3A_31 : memref<10240x128xf32, #tpu.memory_space<hbm>>) target(%arg8 : memref<128x128xf32, #tpu.memory_space<vmem>>) offsets(%dma_start3A_28 : memref<128xi32, #tpu.memory_space<vmem>>) semaphore(%arg10 : memref<!tpu.dma_semaphore, #tpu.memory_space<semaphore_mem>>)
      %dma_wait3A = arith.constant 0 : i32
      %dma_wait3A_32 = tpu.memref_slice %arg6[%scan3A_26, %dma_wait3A] : memref<80x128xi32, #tpu.memory_space<vmem>> -> memref<1x128xi32, #tpu.memory_space<vmem>>
      %dma_wait3A_33 = tpu.memref_squeeze %dma_wait3A_32 : memref<1x128xi32, #tpu.memory_space<vmem>> -> memref<128xi32, #tpu.memory_space<vmem>>
      %dma_wait3A_34 = arith.constant 0 : i32
      %dma_wait3A_35 = arith.constant 0 : i32
      %dma_wait3A_36 = tpu.memref_slice %arg2[%dma_wait3A_34, %dma_wait3A_35] : memref<10240x128xf32, #tpu.memory_space<hbm>> -> memref<10240x128xf32, #tpu.memory_space<hbm>>
      tpu.wait_indirect_dma semaphore(%arg10 : memref<!tpu.dma_semaphore, #tpu.memory_space<semaphore_mem>>) src(%dma_wait3A_36 : memref<10240x128xf32, #tpu.memory_space<hbm>>) dst(%arg8 : memref<128x128xf32, #tpu.memory_space<vmem>>)
      "tpu.region"() ({
        %run_scoped3A = tpu.sem_alloc : memref<!tpu.dma_semaphore, #tpu.memory_space<semaphore_mem>>
        %dma_start3A_37 = arith.constant 0 : i32
        %dma_start3A_38 = tpu.memref_slice %arg7[%scan3A_26, %dma_start3A_37] : memref<80x128xi32, #tpu.memory_space<vmem>> -> memref<1x128xi32, #tpu.memory_space<vmem>>
        %dma_start3A_39 = tpu.memref_squeeze %dma_start3A_38 : memref<1x128xi32, #tpu.memory_space<vmem>> -> memref<128xi32, #tpu.memory_space<vmem>>
        %dma_start3A_40 = arith.constant 0 : i32
        %dma_start3A_41 = arith.constant 0 : i32
        %dma_start3A_42 = tpu.memref_slice %arg9[%dma_start3A_40, %dma_start3A_41] : memref<10240x128xf32, #tpu.memory_space<vmem_shared>> -> memref<10240x128xf32, #tpu.memory_space<vmem_shared>>
        tpu.enqueue_indirect_dma source(%arg8 : memref<128x128xf32, #tpu.memory_space<vmem>>) target(%dma_start3A_42 : memref<10240x128xf32, #tpu.memory_space<vmem_shared>>) offsets(%dma_start3A_39 : memref<128xi32, #tpu.memory_space<vmem>>) semaphore(%run_scoped3A : memref<!tpu.dma_semaphore, #tpu.memory_space<semaphore_mem>>) {add = true}
        %dma_wait3A_43 = arith.constant 0 : i32
        %dma_wait3A_44 = tpu.memref_slice %arg7[%scan3A_26, %dma_wait3A_43] : memref<80x128xi32, #tpu.memory_space<vmem>> -> memref<1x128xi32, #tpu.memory_space<vmem>>
        %dma_wait3A_45 = tpu.memref_squeeze %dma_wait3A_44 : memref<1x128xi32, #tpu.memory_space<vmem>> -> memref<128xi32, #tpu.memory_space<vmem>>
        %dma_wait3A_46 = arith.constant 0 : i32
        %dma_wait3A_47 = arith.constant 0 : i32
        %dma_wait3A_48 = tpu.memref_slice %arg9[%dma_wait3A_46, %dma_wait3A_47] : memref<10240x128xf32, #tpu.memory_space<vmem_shared>> -> memref<10240x128xf32, #tpu.memory_space<vmem_shared>>
        tpu.wait_indirect_dma semaphore(%run_scoped3A : memref<!tpu.dma_semaphore, #tpu.memory_space<semaphore_mem>>) src(%arg8 : memref<128x128xf32, #tpu.memory_space<vmem>>) dst(%dma_wait3A_48 : memref<10240x128xf32, #tpu.memory_space<vmem_shared>>)
        tpu.yield
      }) : () -> ()
    }
    %scan3A_24 = arith.constant 80 : i32
    %barrier3A_25 = arith.constant 0 : index
    tpu.barrier barrier_id(%barrier3A_25)
    "tpu.region"() ({
      %run_scoped3A = tpu.sem_alloc : memref<!tpu.dma_semaphore, #tpu.memory_space<semaphore_mem>>
      %dma_start3A = arith.constant 0 : i32
      %dma_start3A_26 = arith.constant 0 : i32
      %dma_start3A_27 = tpu.memref_slice %arg5[%arg0, %dma_start3A, %dma_start3A_26] : memref<2x10240x128xf32, #tpu.memory_space<hbm>> -> memref<1x10240x128xf32, #tpu.memory_space<hbm>>
      %dma_start3A_28 = tpu.memref_squeeze %dma_start3A_27 : memref<1x10240x128xf32, #tpu.memory_space<hbm>> -> memref<10240x128xf32, #tpu.memory_space<hbm>>
      %dma_start3A_29 = arith.constant 0 : i32
      %dma_start3A_30 = tpu.memref_slice %dma_start3A_28[%mul3A_8, %dma_start3A_29] : memref<10240x128xf32, #tpu.memory_space<hbm>> -> memref<640x128xf32, #tpu.memory_space<hbm>>
      %dma_start3A_31 = arith.constant 0 : i32
      %dma_start3A_32 = tpu.memref_slice %arg9[%mul3A_8, %dma_start3A_31] : memref<10240x128xf32, #tpu.memory_space<vmem_shared>> -> memref<640x128xf32, #tpu.memory_space<vmem_shared>>
      tpu.enqueue_dma source(%dma_start3A_32 : memref<640x128xf32, #tpu.memory_space<vmem_shared>>) target(%dma_start3A_30 : memref<640x128xf32, #tpu.memory_space<hbm>>) target_semaphore(%run_scoped3A : memref<!tpu.dma_semaphore, #tpu.memory_space<semaphore_mem>>)
      %dma_wait3A = arith.constant 0 : i32
      %dma_wait3A_33 = arith.constant 0 : i32
      %dma_wait3A_34 = tpu.memref_slice %arg5[%arg0, %dma_wait3A, %dma_wait3A_33] : memref<2x10240x128xf32, #tpu.memory_space<hbm>> -> memref<1x10240x128xf32, #tpu.memory_space<hbm>>
      %dma_wait3A_35 = tpu.memref_squeeze %dma_wait3A_34 : memref<1x10240x128xf32, #tpu.memory_space<hbm>> -> memref<10240x128xf32, #tpu.memory_space<hbm>>
      %dma_wait3A_36 = arith.constant 0 : i32
      %dma_wait3A_37 = tpu.memref_slice %dma_wait3A_35[%mul3A_8, %dma_wait3A_36] : memref<10240x128xf32, #tpu.memory_space<hbm>> -> memref<640x128xf32, #tpu.memory_space<hbm>>
      %dma_wait3A_38 = arith.constant 0 : i32
      %dma_wait3A_39 = tpu.memref_slice %arg9[%mul3A_8, %dma_wait3A_38] : memref<10240x128xf32, #tpu.memory_space<vmem_shared>> -> memref<640x128xf32, #tpu.memory_space<vmem_shared>>
      tpu.wait_dma2 semaphore(%run_scoped3A : memref<!tpu.dma_semaphore, #tpu.memory_space<semaphore_mem>>) src(%dma_wait3A_39 : memref<640x128xf32, #tpu.memory_space<vmem_shared>>) dst(%dma_wait3A_37 : memref<640x128xf32, #tpu.memory_space<hbm>>)
      tpu.yield
    }) : () -> ()
    return
  }
}

#map = affine_map<(d0, d1) -> (0, 0)>
#map1 = affine_map<(d0, d1) -> (0, 0, 0)>
module attributes {stable_mosaic.version = 14 : i64} {
  func.func @body(%arg0: i32, %arg1: i32, %arg2: memref<10240x128xf32, #tpu.memory_space<hbm>>, %arg3: memref<32x80x128xi32, #tpu.memory_space<hbm>>, %arg4: memref<32x80x128xi32, #tpu.memory_space<hbm>>, %arg5: memref<2x10240x128xf32, #tpu.memory_space<hbm>>, %arg6: memref<80x128xi32, #tpu.memory_space<vmem>>, %arg7: memref<80x128xi32, #tpu.memory_space<vmem>>, %arg8: memref<128x128xf32, #tpu.memory_space<vmem>>, %arg9: memref<10240x128xf32, #tpu.memory_space<vmem_shared>>, %arg10: memref<!tpu.dma_semaphore, #tpu.memory_space<semaphore_mem>>) attributes {dimension_semantics = [#tpu.dimension_semantics<core_parallel>, #tpu.dimension_semantics<subcore_parallel>], iteration_bounds = array<i64: 2, 16>, scalar_prefetch = 0 : i64, scratch_operands = 5 : i64, tpu.core_type = #tpu.core_type<sc_vector_subcore>, window_params = [{transform_indices = #map}, {transform_indices = #map1}, {transform_indices = #map1}, {transform_indices = #map1}]} {
    %mul3A = arith.constant 16 : i32
    %mul3A_0 = arith.muli %arg0, %mul3A : i32
    %add3A = arith.addi %mul3A_0, %arg1 : i32
    "tpu.region"() ({
      %run_scoped3A = tpu.sem_alloc : memref<!tpu.dma_semaphore, #tpu.memory_space<semaphore_mem>>
      %dma_start3A = arith.constant 0 : i32
      %dma_start3A_26 = arith.constant 0 : i32
      %dma_start3A_27 = tpu.memref_slice %arg3[%add3A, %dma_start3A, %dma_start3A_26] : memref<32x80x128xi32, #tpu.memory_space<hbm>> -> memref<1x80x128xi32, #tpu.memory_space<hbm>>
      %dma_start3A_28 = tpu.memref_squeeze %dma_start3A_27 : memref<1x80x128xi32, #tpu.memory_space<hbm>> -> memref<80x128xi32, #tpu.memory_space<hbm>>
      %dma_start3A_29 = arith.constant 0 : i32
      %dma_start3A_30 = arith.constant 0 : i32
      %dma_start3A_31 = tpu.memref_slice %arg3[%add3A, %dma_start3A_29, %dma_start3A_30] : memref<32x80x128xi32, #tpu.memory_space<hbm>> -> memref<1x80x128xi32, #tpu.memory_space<hbm>>
      %dma_start3A_32 = tpu.memref_squeeze %dma_start3A_31 : memref<1x80x128xi32, #tpu.memory_space<hbm>> -> memref<80x128xi32, #tpu.memory_space<hbm>>
      tpu.enqueue_dma source(%dma_start3A_32 : memref<80x128xi32, #tpu.memory_space<hbm>>) target(%arg6 : memref<80x128xi32, #tpu.memory_space<vmem>>) target_semaphore(%run_scoped3A : memref<!tpu.dma_semaphore, #tpu.memory_space<semaphore_mem>>)
      %dma_wait3A = arith.constant 0 : i32
      %dma_wait3A_33 = arith.constant 0 : i32
      %dma_wait3A_34 = tpu.memref_slice %arg3[%add3A, %dma_wait3A, %dma_wait3A_33] : memref<32x80x128xi32, #tpu.memory_space<hbm>> -> memref<1x80x128xi32, #tpu.memory_space<hbm>>
      %dma_wait3A_35 = tpu.memref_squeeze %dma_wait3A_34 : memref<1x80x128xi32, #tpu.memory_space<hbm>> -> memref<80x128xi32, #tpu.memory_space<hbm>>
      %dma_wait3A_36 = arith.constant 0 : i32
      %dma_wait3A_37 = arith.constant 0 : i32
      %dma_wait3A_38 = tpu.memref_slice %arg3[%add3A, %dma_wait3A_36, %dma_wait3A_37] : memref<32x80x128xi32, #tpu.memory_space<hbm>> -> memref<1x80x128xi32, #tpu.memory_space<hbm>>
      %dma_wait3A_39 = tpu.memref_squeeze %dma_wait3A_38 : memref<1x80x128xi32, #tpu.memory_space<hbm>> -> memref<80x128xi32, #tpu.memory_space<hbm>>
      tpu.wait_dma2 semaphore(%run_scoped3A : memref<!tpu.dma_semaphore, #tpu.memory_space<semaphore_mem>>) src(%dma_wait3A_39 : memref<80x128xi32, #tpu.memory_space<hbm>>) dst(%arg6 : memref<80x128xi32, #tpu.memory_space<vmem>>)
      tpu.yield
    }) : () -> ()
    "tpu.region"() ({
      %run_scoped3A = tpu.sem_alloc : memref<!tpu.dma_semaphore, #tpu.memory_space<semaphore_mem>>
      %dma_start3A = arith.constant 0 : i32
      %dma_start3A_26 = arith.constant 0 : i32
      %dma_start3A_27 = tpu.memref_slice %arg4[%add3A, %dma_start3A, %dma_start3A_26] : memref<32x80x128xi32, #tpu.memory_space<hbm>> -> memref<1x80x128xi32, #tpu.memory_space<hbm>>
      %dma_start3A_28 = tpu.memref_squeeze %dma_start3A_27 : memref<1x80x128xi32, #tpu.memory_space<hbm>> -> memref<80x128xi32, #tpu.memory_space<hbm>>
      %dma_start3A_29 = arith.constant 0 : i32
      %dma_start3A_30 = arith.constant 0 : i32
      %dma_start3A_31 = tpu.memref_slice %arg4[%add3A, %dma_start3A_29, %dma_start3A_30] : memref<32x80x128xi32, #tpu.memory_space<hbm>> -> memref<1x80x128xi32, #tpu.memory_space<hbm>>
      %dma_start3A_32 = tpu.memref_squeeze %dma_start3A_31 : memref<1x80x128xi32, #tpu.memory_space<hbm>> -> memref<80x128xi32, #tpu.memory_space<hbm>>
      tpu.enqueue_dma source(%dma_start3A_32 : memref<80x128xi32, #tpu.memory_space<hbm>>) target(%arg7 : memref<80x128xi32, #tpu.memory_space<vmem>>) target_semaphore(%run_scoped3A : memref<!tpu.dma_semaphore, #tpu.memory_space<semaphore_mem>>)
      %dma_wait3A = arith.constant 0 : i32
      %dma_wait3A_33 = arith.constant 0 : i32
      %dma_wait3A_34 = tpu.memref_slice %arg4[%add3A, %dma_wait3A, %dma_wait3A_33] : memref<32x80x128xi32, #tpu.memory_space<hbm>> -> memref<1x80x128xi32, #tpu.memory_space<hbm>>
      %dma_wait3A_35 = tpu.memref_squeeze %dma_wait3A_34 : memref<1x80x128xi32, #tpu.memory_space<hbm>> -> memref<80x128xi32, #tpu.memory_space<hbm>>
      %dma_wait3A_36 = arith.constant 0 : i32
      %dma_wait3A_37 = arith.constant 0 : i32
      %dma_wait3A_38 = tpu.memref_slice %arg4[%add3A, %dma_wait3A_36, %dma_wait3A_37] : memref<32x80x128xi32, #tpu.memory_space<hbm>> -> memref<1x80x128xi32, #tpu.memory_space<hbm>>
      %dma_wait3A_39 = tpu.memref_squeeze %dma_wait3A_38 : memref<1x80x128xi32, #tpu.memory_space<hbm>> -> memref<80x128xi32, #tpu.memory_space<hbm>>
      tpu.wait_dma2 semaphore(%run_scoped3A : memref<!tpu.dma_semaphore, #tpu.memory_space<semaphore_mem>>) src(%dma_wait3A_39 : memref<80x128xi32, #tpu.memory_space<hbm>>) dst(%arg7 : memref<80x128xi32, #tpu.memory_space<vmem>>)
      tpu.yield
    }) : () -> ()
    %broadcast_in_dim3A = arith.constant 0.000000e+00 : f32
    %broadcast_in_dim3A_1 = vector.broadcast %broadcast_in_dim3A : f32 to vector<16xf32>
    %scan3A = arith.constant 0 : i32
    %scan3A_2 = arith.constant 0 : i32
    %scan3A_3 = arith.constant 128 : i32
    %scan3A_4 = arith.addi %scan3A_2, %scan3A_3 : i32
    %scan3A_5 = arith.constant 1 : i32
    scf.for %scan3A_26 = %scan3A_2 to %scan3A_4 step %scan3A_5  : i32 {
      %swap3A = arith.index_cast %scan3A_26 : i32 to index
      %swap3A_27 = arith.constant 0 : index
      %swap3A_28 = tpu.vector_load %arg8[%swap3A, %swap3A_27] {strides = array<i32>} : memref<128x128xf32, #tpu.memory_space<vmem>>, vector<1x16xf32>,
      %swap3A_29 = vector.shape_cast %swap3A_28 : vector<1x16xf32> to vector<16xf32>
      %swap3A_30 = vector.shape_cast %broadcast_in_dim3A_1 : vector<16xf32> to vector<1x16xf32>
      tpu.vector_store %arg8[%swap3A, %swap3A_27], %swap3A_30 {strides = array<i32>} : memref<128x128xf32, #tpu.memory_space<vmem>>, vector<1x16xf32>,
      %swap3A_31 = arith.index_cast %scan3A_26 : i32 to index
      %swap3A_32 = arith.constant 16 : index
      %swap3A_33 = tpu.vector_load %arg8[%swap3A_31, %swap3A_32] {strides = array<i32>} : memref<128x128xf32, #tpu.memory_space<vmem>>, vector<1x16xf32>,
      %swap3A_34 = vector.shape_cast %swap3A_33 : vector<1x16xf32> to vector<16xf32>
      %swap3A_35 = vector.shape_cast %broadcast_in_dim3A_1 : vector<16xf32> to vector<1x16xf32>
      tpu.vector_store %arg8[%swap3A_31, %swap3A_32], %swap3A_35 {strides = array<i32>} : memref<128x128xf32, #tpu.memory_space<vmem>>, vector<1x16xf32>,
      %swap3A_36 = arith.index_cast %scan3A_26 : i32 to index
      %swap3A_37 = arith.constant 32 : index
      %swap3A_38 = tpu.vector_load %arg8[%swap3A_36, %swap3A_37] {strides = array<i32>} : memref<128x128xf32, #tpu.memory_space<vmem>>, vector<1x16xf32>,
      %swap3A_39 = vector.shape_cast %swap3A_38 : vector<1x16xf32> to vector<16xf32>
      %swap3A_40 = vector.shape_cast %broadcast_in_dim3A_1 : vector<16xf32> to vector<1x16xf32>
      tpu.vector_store %arg8[%swap3A_36, %swap3A_37], %swap3A_40 {strides = array<i32>} : memref<128x128xf32, #tpu.memory_space<vmem>>, vector<1x16xf32>,
      %swap3A_41 = arith.index_cast %scan3A_26 : i32 to index
      %swap3A_42 = arith.constant 48 : index
      %swap3A_43 = tpu.vector_load %arg8[%swap3A_41, %swap3A_42] {strides = array<i32>} : memref<128x128xf32, #tpu.memory_space<vmem>>, vector<1x16xf32>,
      %swap3A_44 = vector.shape_cast %swap3A_43 : vector<1x16xf32> to vector<16xf32>
      %swap3A_45 = vector.shape_cast %broadcast_in_dim3A_1 : vector<16xf32> to vector<1x16xf32>
      tpu.vector_store %arg8[%swap3A_41, %swap3A_42], %swap3A_45 {strides = array<i32>} : memref<128x128xf32, #tpu.memory_space<vmem>>, vector<1x16xf32>,
      %swap3A_46 = arith.index_cast %scan3A_26 : i32 to index
      %swap3A_47 = arith.constant 64 : index
      %swap3A_48 = tpu.vector_load %arg8[%swap3A_46, %swap3A_47] {strides = array<i32>} : memref<128x128xf32, #tpu.memory_space<vmem>>, vector<1x16xf32>,
      %swap3A_49 = vector.shape_cast %swap3A_48 : vector<1x16xf32> to vector<16xf32>
      %swap3A_50 = vector.shape_cast %broadcast_in_dim3A_1 : vector<16xf32> to vector<1x16xf32>
      tpu.vector_store %arg8[%swap3A_46, %swap3A_47], %swap3A_50 {strides = array<i32>} : memref<128x128xf32, #tpu.memory_space<vmem>>, vector<1x16xf32>,
      %swap3A_51 = arith.index_cast %scan3A_26 : i32 to index
      %swap3A_52 = arith.constant 80 : index
      %swap3A_53 = tpu.vector_load %arg8[%swap3A_51, %swap3A_52] {strides = array<i32>} : memref<128x128xf32, #tpu.memory_space<vmem>>, vector<1x16xf32>,
      %swap3A_54 = vector.shape_cast %swap3A_53 : vector<1x16xf32> to vector<16xf32>
      %swap3A_55 = vector.shape_cast %broadcast_in_dim3A_1 : vector<16xf32> to vector<1x16xf32>
      tpu.vector_store %arg8[%swap3A_51, %swap3A_52], %swap3A_55 {strides = array<i32>} : memref<128x128xf32, #tpu.memory_space<vmem>>, vector<1x16xf32>,
      %swap3A_56 = arith.index_cast %scan3A_26 : i32 to index
      %swap3A_57 = arith.constant 96 : index
      %swap3A_58 = tpu.vector_load %arg8[%swap3A_56, %swap3A_57] {strides = array<i32>} : memref<128x128xf32, #tpu.memory_space<vmem>>, vector<1x16xf32>,
      %swap3A_59 = vector.shape_cast %swap3A_58 : vector<1x16xf32> to vector<16xf32>
      %swap3A_60 = vector.shape_cast %broadcast_in_dim3A_1 : vector<16xf32> to vector<1x16xf32>
      tpu.vector_store %arg8[%swap3A_56, %swap3A_57], %swap3A_60 {strides = array<i32>} : memref<128x128xf32, #tpu.memory_space<vmem>>, vector<1x16xf32>,
      %swap3A_61 = arith.index_cast %scan3A_26 : i32 to index
      %swap3A_62 = arith.constant 112 : index
      %swap3A_63 = tpu.vector_load %arg8[%swap3A_61, %swap3A_62] {strides = array<i32>} : memref<128x128xf32, #tpu.memory_space<vmem>>, vector<1x16xf32>,
      %swap3A_64 = vector.shape_cast %swap3A_63 : vector<1x16xf32> to vector<16xf32>
      %swap3A_65 = vector.shape_cast %broadcast_in_dim3A_1 : vector<16xf32> to vector<1x16xf32>
      tpu.vector_store %arg8[%swap3A_61, %swap3A_62], %swap3A_65 {strides = array<i32>} : memref<128x128xf32, #tpu.memory_space<vmem>>, vector<1x16xf32>,
    }
    %scan3A_6 = arith.constant 128 : i32
    %mul3A_7 = arith.constant 640 : i32
    %mul3A_8 = arith.muli %arg1, %mul3A_7 : i32
    %add3A_9 = arith.constant 0 : i32
    %add3A_10 = arith.addi %mul3A_8, %add3A_9 : i32
    "tpu.region"() ({
      %run_scoped3A = tpu.sem_alloc : memref<!tpu.dma_semaphore, #tpu.memory_space<semaphore_mem>>
      %dma_start3A = arith.constant 0 : i32
      %dma_start3A_26 = tpu.memref_slice %arg9[%add3A_10, %dma_start3A] : memref<10240x128xf32, #tpu.memory_space<vmem_shared>> -> memref<128x128xf32, #tpu.memory_space<vmem_shared>>
      %dma_start3A_27 = arith.constant 0 : i32
      %dma_start3A_28 = tpu.memref_slice %arg9[%add3A_10, %dma_start3A_27] : memref<10240x128xf32, #tpu.memory_space<vmem_shared>> -> memref<128x128xf32, #tpu.memory_space<vmem_shared>>
      tpu.enqueue_dma source(%arg8 : memref<128x128xf32, #tpu.memory_space<vmem>>) target(%dma_start3A_28 : memref<128x128xf32, #tpu.memory_space<vmem_shared>>) target_semaphore(%run_scoped3A : memref<!tpu.dma_semaphore, #tpu.memory_space<semaphore_mem>>)
      %dma_wait3A = arith.constant 0 : i32
      %dma_wait3A_29 = tpu.memref_slice %arg9[%add3A_10, %dma_wait3A] : memref<10240x128xf32, #tpu.memory_space<vmem_shared>> -> memref<128x128xf32, #tpu.memory_space<vmem_shared>>
      %dma_wait3A_30 = arith.constant 0 : i32
      %dma_wait3A_31 = tpu.memref_slice %arg9[%add3A_10, %dma_wait3A_30] : memref<10240x128xf32, #tpu.memory_space<vmem_shared>> -> memref<128x128xf32, #tpu.memory_space<vmem_shared>>
      tpu.wait_dma2 semaphore(%run_scoped3A : memref<!tpu.dma_semaphore, #tpu.memory_space<semaphore_mem>>) src(%arg8 : memref<128x128xf32, #tpu.memory_space<vmem>>) dst(%dma_wait3A_31 : memref<128x128xf32, #tpu.memory_space<vmem_shared>>)
      tpu.yield
    }) : () -> ()
    %add3A_11 = arith.constant 128 : i32
    %add3A_12 = arith.addi %mul3A_8, %add3A_11 : i32
    "tpu.region"() ({
      %run_scoped3A = tpu.sem_alloc : memref<!tpu.dma_semaphore, #tpu.memory_space<semaphore_mem>>
      %dma_start3A = arith.constant 0 : i32
      %dma_start3A_26 = tpu.memref_slice %arg9[%add3A_12, %dma_start3A] : memref<10240x128xf32, #tpu.memory_space<vmem_shared>> -> memref<128x128xf32, #tpu.memory_space<vmem_shared>>
      %dma_start3A_27 = arith.constant 0 : i32
      %dma_start3A_28 = tpu.memref_slice %arg9[%add3A_12, %dma_start3A_27] : memref<10240x128xf32, #tpu.memory_space<vmem_shared>> -> memref<128x128xf32, #tpu.memory_space<vmem_shared>>
      tpu.enqueue_dma source(%arg8 : memref<128x128xf32, #tpu.memory_space<vmem>>) target(%dma_start3A_28 : memref<128x128xf32, #tpu.memory_space<vmem_shared>>) target_semaphore(%run_scoped3A : memref<!tpu.dma_semaphore, #tpu.memory_space<semaphore_mem>>)
      %dma_wait3A = arith.constant 0 : i32
      %dma_wait3A_29 = tpu.memref_slice %arg9[%add3A_12, %dma_wait3A] : memref<10240x128xf32, #tpu.memory_space<vmem_shared>> -> memref<128x128xf32, #tpu.memory_space<vmem_shared>>
      %dma_wait3A_30 = arith.constant 0 : i32
      %dma_wait3A_31 = tpu.memref_slice %arg9[%add3A_12, %dma_wait3A_30] : memref<10240x128xf32, #tpu.memory_space<vmem_shared>> -> memref<128x128xf32, #tpu.memory_space<vmem_shared>>
      tpu.wait_dma2 semaphore(%run_scoped3A : memref<!tpu.dma_semaphore, #tpu.memory_space<semaphore_mem>>) src(%arg8 : memref<128x128xf32, #tpu.memory_space<vmem>>) dst(%dma_wait3A_31 : memref<128x128xf32, #tpu.memory_space<vmem_shared>>)
      tpu.yield
    }) : () -> ()
    %add3A_13 = arith.constant 256 : i32
    %add3A_14 = arith.addi %mul3A_8, %add3A_13 : i32
    "tpu.region"() ({
      %run_scoped3A = tpu.sem_alloc : memref<!tpu.dma_semaphore, #tpu.memory_space<semaphore_mem>>
      %dma_start3A = arith.constant 0 : i32
      %dma_start3A_26 = tpu.memref_slice %arg9[%add3A_14, %dma_start3A] : memref<10240x128xf32, #tpu.memory_space<vmem_shared>> -> memref<128x128xf32, #tpu.memory_space<vmem_shared>>
      %dma_start3A_27 = arith.constant 0 : i32
      %dma_start3A_28 = tpu.memref_slice %arg9[%add3A_14, %dma_start3A_27] : memref<10240x128xf32, #tpu.memory_space<vmem_shared>> -> memref<128x128xf32, #tpu.memory_space<vmem_shared>>
      tpu.enqueue_dma source(%arg8 : memref<128x128xf32, #tpu.memory_space<vmem>>) target(%dma_start3A_28 : memref<128x128xf32, #tpu.memory_space<vmem_shared>>) target_semaphore(%run_scoped3A : memref<!tpu.dma_semaphore, #tpu.memory_space<semaphore_mem>>)
      %dma_wait3A = arith.constant 0 : i32
      %dma_wait3A_29 = tpu.memref_slice %arg9[%add3A_14, %dma_wait3A] : memref<10240x128xf32, #tpu.memory_space<vmem_shared>> -> memref<128x128xf32, #tpu.memory_space<vmem_shared>>
      %dma_wait3A_30 = arith.constant 0 : i32
      %dma_wait3A_31 = tpu.memref_slice %arg9[%add3A_14, %dma_wait3A_30] : memref<10240x128xf32, #tpu.memory_space<vmem_shared>> -> memref<128x128xf32, #tpu.memory_space<vmem_shared>>
      tpu.wait_dma2 semaphore(%run_scoped3A : memref<!tpu.dma_semaphore, #tpu.memory_space<semaphore_mem>>) src(%arg8 : memref<128x128xf32, #tpu.memory_space<vmem>>) dst(%dma_wait3A_31 : memref<128x128xf32, #tpu.memory_space<vmem_shared>>)
      tpu.yield
    }) : () -> ()
    %add3A_15 = arith.constant 384 : i32
    %add3A_16 = arith.addi %mul3A_8, %add3A_15 : i32
    "tpu.region"() ({
      %run_scoped3A = tpu.sem_alloc : memref<!tpu.dma_semaphore, #tpu.memory_space<semaphore_mem>>
      %dma_start3A = arith.constant 0 : i32
      %dma_start3A_26 = tpu.memref_slice %arg9[%add3A_16, %dma_start3A] : memref<10240x128xf32, #tpu.memory_space<vmem_shared>> -> memref<128x128xf32, #tpu.memory_space<vmem_shared>>
      %dma_start3A_27 = arith.constant 0 : i32
      %dma_start3A_28 = tpu.memref_slice %arg9[%add3A_16, %dma_start3A_27] : memref<10240x128xf32, #tpu.memory_space<vmem_shared>> -> memref<128x128xf32, #tpu.memory_space<vmem_shared>>
      tpu.enqueue_dma source(%arg8 : memref<128x128xf32, #tpu.memory_space<vmem>>) target(%dma_start3A_28 : memref<128x128xf32, #tpu.memory_space<vmem_shared>>) target_semaphore(%run_scoped3A : memref<!tpu.dma_semaphore, #tpu.memory_space<semaphore_mem>>)
      %dma_wait3A = arith.constant 0 : i32
      %dma_wait3A_29 = tpu.memref_slice %arg9[%add3A_16, %dma_wait3A] : memref<10240x128xf32, #tpu.memory_space<vmem_shared>> -> memref<128x128xf32, #tpu.memory_space<vmem_shared>>
      %dma_wait3A_30 = arith.constant 0 : i32
      %dma_wait3A_31 = tpu.memref_slice %arg9[%add3A_16, %dma_wait3A_30] : memref<10240x128xf32, #tpu.memory_space<vmem_shared>> -> memref<128x128xf32, #tpu.memory_space<vmem_shared>>
      tpu.wait_dma2 semaphore(%run_scoped3A : memref<!tpu.dma_semaphore, #tpu.memory_space<semaphore_mem>>) src(%arg8 : memref<128x128xf32, #tpu.memory_space<vmem>>) dst(%dma_wait3A_31 : memref<128x128xf32, #tpu.memory_space<vmem_shared>>)
      tpu.yield
    }) : () -> ()
    %add3A_17 = arith.constant 512 : i32
    %add3A_18 = arith.addi %mul3A_8, %add3A_17 : i32
    "tpu.region"() ({
      %run_scoped3A = tpu.sem_alloc : memref<!tpu.dma_semaphore, #tpu.memory_space<semaphore_mem>>
      %dma_start3A = arith.constant 0 : i32
      %dma_start3A_26 = tpu.memref_slice %arg9[%add3A_18, %dma_start3A] : memref<10240x128xf32, #tpu.memory_space<vmem_shared>> -> memref<128x128xf32, #tpu.memory_space<vmem_shared>>
      %dma_start3A_27 = arith.constant 0 : i32
      %dma_start3A_28 = tpu.memref_slice %arg9[%add3A_18, %dma_start3A_27] : memref<10240x128xf32, #tpu.memory_space<vmem_shared>> -> memref<128x128xf32, #tpu.memory_space<vmem_shared>>
      tpu.enqueue_dma source(%arg8 : memref<128x128xf32, #tpu.memory_space<vmem>>) target(%dma_start3A_28 : memref<128x128xf32, #tpu.memory_space<vmem_shared>>) target_semaphore(%run_scoped3A : memref<!tpu.dma_semaphore, #tpu.memory_space<semaphore_mem>>)
      %dma_wait3A = arith.constant 0 : i32
      %dma_wait3A_29 = tpu.memref_slice %arg9[%add3A_18, %dma_wait3A] : memref<10240x128xf32, #tpu.memory_space<vmem_shared>> -> memref<128x128xf32, #tpu.memory_space<vmem_shared>>
      %dma_wait3A_30 = arith.constant 0 : i32
      %dma_wait3A_31 = tpu.memref_slice %arg9[%add3A_18, %dma_wait3A_30] : memref<10240x128xf32, #tpu.memory_space<vmem_shared>> -> memref<128x128xf32, #tpu.memory_space<vmem_shared>>
      tpu.wait_dma2 semaphore(%run_scoped3A : memref<!tpu.dma_semaphore, #tpu.memory_space<semaphore_mem>>) src(%arg8 : memref<128x128xf32, #tpu.memory_space<vmem>>) dst(%dma_wait3A_31 : memref<128x128xf32, #tpu.memory_space<vmem_shared>>)
      tpu.yield
    }) : () -> ()
    %barrier3A = arith.constant 0 : index
    tpu.barrier barrier_id(%barrier3A)
    %scan3A_19 = arith.constant 0 : i32
    %scan3A_20 = arith.constant 0 : i32
    %scan3A_21 = arith.constant 80 : i32
    %scan3A_22 = arith.addi %scan3A_20, %scan3A_21 : i32
    %scan3A_23 = arith.constant 1 : i32
    scf.for %scan3A_26 = %scan3A_20 to %scan3A_22 step %scan3A_23  : i32 {
      %dma_start3A = arith.constant 0 : i32
      %dma_start3A_27 = tpu.memref_slice %arg6[%scan3A_26, %dma_start3A] : memref<80x128xi32, #tpu.memory_space<vmem>> -> memref<1x128xi32, #tpu.memory_space<vmem>>
      %dma_start3A_28 = tpu.memref_squeeze %dma_start3A_27 : memref<1x128xi32, #tpu.memory_space<vmem>> -> memref<128xi32, #tpu.memory_space<vmem>>
      %dma_start3A_29 = arith.constant 0 : i32
      %dma_start3A_30 = arith.constant 0 : i32
      %dma_start3A_31 = tpu.memref_slice %arg2[%dma_start3A_29, %dma_start3A_30] : memref<10240x128xf32, #tpu.memory_space<hbm>> -> memref<10240x128xf32, #tpu.memory_space<hbm>>
      tpu.enqueue_indirect_dma source(%dma_start3A_31 : memref<10240x128xf32, #tpu.memory_space<hbm>>) target(%arg8 : memref<128x128xf32, #tpu.memory_space<vmem>>) offsets(%dma_start3A_28 : memref<128xi32, #tpu.memory_space<vmem>>) semaphore(%arg10 : memref<!tpu.dma_semaphore, #tpu.memory_space<semaphore_mem>>)
      %dma_wait3A = arith.constant 0 : i32
      %dma_wait3A_32 = tpu.memref_slice %arg6[%scan3A_26, %dma_wait3A] : memref<80x128xi32, #tpu.memory_space<vmem>> -> memref<1x128xi32, #tpu.memory_space<vmem>>
      %dma_wait3A_33 = tpu.memref_squeeze %dma_wait3A_32 : memref<1x128xi32, #tpu.memory_space<vmem>> -> memref<128xi32, #tpu.memory_space<vmem>>
      %dma_wait3A_34 = arith.constant 0 : i32
      %dma_wait3A_35 = arith.constant 0 : i32
      %dma_wait3A_36 = tpu.memref_slice %arg2[%dma_wait3A_34, %dma_wait3A_35] : memref<10240x128xf32, #tpu.memory_space<hbm>> -> memref<10240x128xf32, #tpu.memory_space<hbm>>
      tpu.wait_indirect_dma semaphore(%arg10 : memref<!tpu.dma_semaphore, #tpu.memory_space<semaphore_mem>>) src(%dma_wait3A_36 : memref<10240x128xf32, #tpu.memory_space<hbm>>) dst(%arg8 : memref<128x128xf32, #tpu.memory_space<vmem>>)
      "tpu.region"() ({
        %run_scoped3A = tpu.sem_alloc : memref<!tpu.dma_semaphore, #tpu.memory_space<semaphore_mem>>
        %dma_start3A_37 = arith.constant 0 : i32
        %dma_start3A_38 = tpu.memref_slice %arg7[%scan3A_26, %dma_start3A_37] : memref<80x128xi32, #tpu.memory_space<vmem>> -> memref<1x128xi32, #tpu.memory_space<vmem>>
        %dma_start3A_39 = tpu.memref_squeeze %dma_start3A_38 : memref<1x128xi32, #tpu.memory_space<vmem>> -> memref<128xi32, #tpu.memory_space<vmem>>
        %dma_start3A_40 = arith.constant 0 : i32
        %dma_start3A_41 = arith.constant 0 : i32
        %dma_start3A_42 = tpu.memref_slice %arg9[%dma_start3A_40, %dma_start3A_41] : memref<10240x128xf32, #tpu.memory_space<vmem_shared>> -> memref<10240x128xf32, #tpu.memory_space<vmem_shared>>
        tpu.enqueue_indirect_dma source(%arg8 : memref<128x128xf32, #tpu.memory_space<vmem>>) target(%dma_start3A_42 : memref<10240x128xf32, #tpu.memory_space<vmem_shared>>) offsets(%dma_start3A_39 : memref<128xi32, #tpu.memory_space<vmem>>) semaphore(%run_scoped3A : memref<!tpu.dma_semaphore, #tpu.memory_space<semaphore_mem>>) {add = true}
        %dma_wait3A_43 = arith.constant 0 : i32
        %dma_wait3A_44 = tpu.memref_slice %arg7[%scan3A_26, %dma_wait3A_43] : memref<80x128xi32, #tpu.memory_space<vmem>> -> memref<1x128xi32, #tpu.memory_space<vmem>>
        %dma_wait3A_45 = tpu.memref_squeeze %dma_wait3A_44 : memref<1x128xi32, #tpu.memory_space<vmem>> -> memref<128xi32, #tpu.memory_space<vmem>>
        %dma_wait3A_46 = arith.constant 0 : i32
        %dma_wait3A_47 = arith.constant 0 : i32
        %dma_wait3A_48 = tpu.memref_slice %arg9[%dma_wait3A_46, %dma_wait3A_47] : memref<10240x128xf32, #tpu.memory_space<vmem_shared>> -> memref<10240x128xf32, #tpu.memory_space<vmem_shared>>
        tpu.wait_indirect_dma semaphore(%run_scoped3A : memref<!tpu.dma_semaphore, #tpu.memory_space<semaphore_mem>>) src(%arg8 : memref<128x128xf32, #tpu.memory_space<vmem>>) dst(%dma_wait3A_48 : memref<10240x128xf32, #tpu.memory_space<vmem_shared>>)
        tpu.yield
      }) : () -> ()
    }
    %scan3A_24 = arith.constant 80 : i32
    %barrier3A_25 = arith.constant 0 : index
    tpu.barrier barrier_id(%barrier3A_25)
    "tpu.region"() ({
      %run_scoped3A = tpu.sem_alloc : memref<!tpu.dma_semaphore, #tpu.memory_space<semaphore_mem>>
      %dma_start3A = arith.constant 0 : i32
      %dma_start3A_26 = arith.constant 0 : i32
      %dma_start3A_27 = tpu.memref_slice %arg5[%arg0, %dma_start3A, %dma_start3A_26] : memref<2x10240x128xf32, #tpu.memory_space<hbm>> -> memref<1x10240x128xf32, #tpu.memory_space<hbm>>
      %dma_start3A_28 = tpu.memref_squeeze %dma_start3A_27 : memref<1x10240x128xf32, #tpu.memory_space<hbm>> -> memref<10240x128xf32, #tpu.memory_space<hbm>>
      %dma_start3A_29 = arith.constant 0 : i32
      %dma_start3A_30 = tpu.memref_slice %dma_start3A_28[%mul3A_8, %dma_start3A_29] : memref<10240x128xf32, #tpu.memory_space<hbm>> -> memref<640x128xf32, #tpu.memory_space<hbm>>
      %dma_start3A_31 = arith.constant 0 : i32
      %dma_start3A_32 = tpu.memref_slice %arg9[%mul3A_8, %dma_start3A_31] : memref<10240x128xf32, #tpu.memory_space<vmem_shared>> -> memref<640x128xf32, #tpu.memory_space<vmem_shared>>
      tpu.enqueue_dma source(%dma_start3A_32 : memref<640x128xf32, #tpu.memory_space<vmem_shared>>) target(%dma_start3A_30 : memref<640x128xf32, #tpu.memory_space<hbm>>) target_semaphore(%run_scoped3A : memref<!tpu.dma_semaphore, #tpu.memory_space<semaphore_mem>>)
      %dma_wait3A = arith.constant 0 : i32
      %dma_wait3A_33 = arith.constant 0 : i32
      %dma_wait3A_34 = tpu.memref_slice %arg5[%arg0, %dma_wait3A, %dma_wait3A_33] : memref<2x10240x128xf32, #tpu.memory_space<hbm>> -> memref<1x10240x128xf32, #tpu.memory_space<hbm>>
      %dma_wait3A_35 = tpu.memref_squeeze %dma_wait3A_34 : memref<1x10240x128xf32, #tpu.memory_space<hbm>> -> memref<10240x128xf32, #tpu.memory_space<hbm>>
      %dma_wait3A_36 = arith.constant 0 : i32
      %dma_wait3A_37 = tpu.memref_slice %dma_wait3A_35[%mul3A_8, %dma_wait3A_36] : memref<10240x128xf32, #tpu.memory_space<hbm>> -> memref<640x128xf32, #tpu.memory_space<hbm>>
      %dma_wait3A_38 = arith.constant 0 : i32
      %dma_wait3A_39 = tpu.memref_slice %arg9[%mul3A_8, %dma_wait3A_38] : memref<10240x128xf32, #tpu.memory_space<vmem_shared>> -> memref<640x128xf32, #tpu.memory_space<vmem_shared>>
      tpu.wait_dma2 semaphore(%run_scoped3A : memref<!tpu.dma_semaphore, #tpu.memory_space<semaphore_mem>>) src(%dma_wait3A_39 : memref<640x128xf32, #tpu.memory_space<vmem_shared>>) dst(%dma_wait3A_37 : memref<640x128xf32, #tpu.memory_space<hbm>>)
      tpu.yield
    }) : () -> ()
    return
  }
}

module attributes {stable_mosaic.version = 14 : i64} {
  func.func @_mm_body(%arg0: i32, %arg1: memref<2048x128xf32, #tpu.memory_space<vmem>>, %arg2: memref<128x128xf32, #tpu.memory_space<vmem>>, %arg3: memref<2048x128xf32, #tpu.memory_space<vmem>>) attributes {dimension_semantics = [#tpu.dimension_semantics<arbitrary>], iteration_bounds = array<i64: 5>, scalar_prefetch = 0 : i64, scratch_operands = 0 : i64, tpu.core_type = #tpu.core_type<tc>, window_params = [{transform_indices = @transform_0, window_bounds = array<i64: 2048, 128>}, {pipeline_mode = #tpu.pipeline_mode<synchronous>, transform_indices = @transform_1, window_bounds = array<i64: 128, 128>}, {transform_indices = @transform_2, window_bounds = array<i64: 2048, 128>}]} {
    %get3A = arith.constant 0 : index
    %get3A_0 = arith.constant 0 : index
    %get3A_1 = vector.load %arg1[%get3A, %get3A_0] : memref<2048x128xf32, #tpu.memory_space<vmem>>, vector<2048x128xf32>
    %get3A_2 = arith.constant 0 : index
    %get3A_3 = arith.constant 0 : index
    %get3A_4 = vector.load %arg2[%get3A_2, %get3A_3] : memref<128x128xf32, #tpu.memory_space<vmem>>, vector<128x128xf32>
    %dot_general3A = arith.constant dense<0.000000e+00> : vector<2048x128xf32>
    %dot_general3A_5 = tpu.matmul %get3A_1, %get3A_4, %dot_general3A {dimension_numbers = #tpu.dot_dimension_numbers<[1], [0], [0], [1], [0, 0, 1, 1], [], []>, transpose_lhs_hint = false} : vector<2048x128xf32>, vector<128x128xf32>, vector<2048x128xf32> -> vector<2048x128xf32>
    %swap3A = arith.constant 0 : index
    %swap3A_6 = arith.constant 0 : index
    %swap3A_7 = vector.load %arg3[%swap3A, %swap3A_6] : memref<2048x128xf32, #tpu.memory_space<vmem>>, vector<2048x128xf32>
    tpu.vector_store %arg3[%swap3A, %swap3A_6], %dot_general3A_5 {strides = array<i32>} : memref<2048x128xf32, #tpu.memory_space<vmem>>, vector<2048x128xf32>,
    return
  }
  func.func @transform_0(%arg0: i32) -> (i32, i32) {
    %c0_i32 = arith.constant 0 : i32
    %c0_i32_0 = arith.constant 0 : i32
    return %arg0, %c0_i32 : i32, i32
  }
  func.func @transform_1(%arg0: i32) -> (i32, i32) {
    %c0_i32 = arith.constant 0 : i32
    %c0_i32_0 = arith.constant 0 : i32
    %c0_i32_1 = arith.constant 0 : i32
    return %c0_i32, %c0_i32_0 : i32, i32
  }
  func.func @transform_2(%arg0: i32) -> (i32, i32) {
    %c0_i32 = arith.constant 0 : i32
    %c0_i32_0 = arith.constant 0 : i32
    return %arg0, %c0_i32 : i32, i32
  }
}

module attributes {stable_mosaic.version = 14 : i64} {
  func.func @_comb1_body(%arg0: i32, %arg1: memref<2x2048x128xf32, #tpu.memory_space<vmem>>, %arg2: memref<2x2048x8xf32, #tpu.memory_space<vmem>>, %arg3: memref<128x128xf32, #tpu.memory_space<vmem>>, %arg4: memref<2048x128xf32, #tpu.memory_space<vmem>>, %arg5: memref<2048x128xf32, #tpu.memory_space<vmem>>, %arg6: memref<2048x1xf32, #tpu.memory_space<vmem>>) attributes {dimension_semantics = [#tpu.dimension_semantics<arbitrary>], iteration_bounds = array<i64: 5>, scalar_prefetch = 0 : i64, scratch_operands = 0 : i64, tpu.core_type = #tpu.core_type<tc>, window_params = [{transform_indices = @transform_0, window_bounds = array<i64: 2, 2048, 128>}, {transform_indices = @transform_1, window_bounds = array<i64: 2, 2048, 8>}, {pipeline_mode = #tpu.pipeline_mode<synchronous>, transform_indices = @transform_2, window_bounds = array<i64: 128, 128>}, {transform_indices = @transform_3, window_bounds = array<i64: 2048, 128>}, {transform_indices = @transform_4, window_bounds = array<i64: 2048, 128>}, {transform_indices = @transform_5, window_bounds = array<i64: 2048, 1>}]} {
    %get3A = arith.constant 0 : index
    %get3A_0 = arith.constant 0 : index
    %get3A_1 = arith.constant 0 : index
    %get3A_2 = vector.load %arg1[%get3A, %get3A_0, %get3A_1] : memref<2x2048x128xf32, #tpu.memory_space<vmem>>, vector<1x2048x128xf32>
    %get3A_3 = vector.shape_cast %get3A_2 : vector<1x2048x128xf32> to vector<2048x128xf32>
    %get3A_4 = arith.constant 1 : index
    %get3A_5 = arith.constant 0 : index
    %get3A_6 = arith.constant 0 : index
    %get3A_7 = vector.load %arg1[%get3A_4, %get3A_5, %get3A_6] : memref<2x2048x128xf32, #tpu.memory_space<vmem>>, vector<1x2048x128xf32>
    %get3A_8 = vector.shape_cast %get3A_7 : vector<1x2048x128xf32> to vector<2048x128xf32>
    %add3A = arith.addf %get3A_3, %get3A_8 : vector<2048x128xf32>
    %get3A_9 = arith.constant 0 : index
    %get3A_10 = arith.constant 0 : index
    %get3A_11 = arith.constant 0 : index
    %get3A_12 = vector.load %arg2[%get3A_9, %get3A_10, %get3A_11] : memref<2x2048x8xf32, #tpu.memory_space<vmem>>, vector<1x2048x1xf32>
    %get3A_13 = vector.shape_cast %get3A_12 : vector<1x2048x1xf32> to vector<2048x1xf32>
    %get3A_14 = arith.constant 1 : index
    %get3A_15 = arith.constant 0 : index
    %get3A_16 = arith.constant 0 : index
    %get3A_17 = vector.load %arg2[%get3A_14, %get3A_15, %get3A_16] : memref<2x2048x8xf32, #tpu.memory_space<vmem>>, vector<1x2048x1xf32>
    %get3A_18 = vector.shape_cast %get3A_17 : vector<1x2048x1xf32> to vector<2048x1xf32>
    %add3A_19 = arith.addf %get3A_13, %get3A_18 : vector<2048x1xf32>
    %max3A = arith.constant 1.000000e+00 : f32
    %max3A_20 = vector.broadcast %max3A : f32 to vector<2048x1xf32>
    %max3A_21 = arith.maximumf %add3A_19, %max3A_20 : vector<2048x1xf32>
    %max3A_22 = arith.constant 0.000000e+00 : f32
    %max3A_23 = vector.broadcast %max3A_22 : f32 to vector<2048x128xf32>
    %max3A_24 = arith.maximumf %add3A, %max3A_23 : vector<2048x128xf32>
    %div3A = vector.broadcast %max3A_21 : vector<2048x1xf32> to vector<2048x128xf32>
    %div3A_25 = arith.divf %max3A_24, %div3A : vector<2048x128xf32>
    %swap3A = arith.constant 0 : index
    %swap3A_26 = arith.constant 0 : index
    %swap3A_27 = vector.load %arg4[%swap3A, %swap3A_26] : memref<2048x128xf32, #tpu.memory_space<vmem>>, vector<2048x128xf32>
    tpu.vector_store %arg4[%swap3A, %swap3A_26], %div3A_25 {strides = array<i32>} : memref<2048x128xf32, #tpu.memory_space<vmem>>, vector<2048x128xf32>,
    %get3A_28 = arith.constant 0 : index
    %get3A_29 = arith.constant 0 : index
    %get3A_30 = vector.load %arg3[%get3A_28, %get3A_29] : memref<128x128xf32, #tpu.memory_space<vmem>>, vector<128x128xf32>
    %dot_general3A = arith.constant dense<0.000000e+00> : vector<2048x128xf32>
    %dot_general3A_31 = tpu.matmul %div3A_25, %get3A_30, %dot_general3A {dimension_numbers = #tpu.dot_dimension_numbers<[1], [0], [0], [1], [0, 0, 1, 1], [], []>, transpose_lhs_hint = false} : vector<2048x128xf32>, vector<128x128xf32>, vector<2048x128xf32> -> vector<2048x128xf32>
    %swap3A_32 = arith.constant 0 : index
    %swap3A_33 = arith.constant 0 : index
    %swap3A_34 = vector.load %arg5[%swap3A_32, %swap3A_33] : memref<2048x128xf32, #tpu.memory_space<vmem>>, vector<2048x128xf32>
    tpu.vector_store %arg5[%swap3A_32, %swap3A_33], %dot_general3A_31 {strides = array<i32>} : memref<2048x128xf32, #tpu.memory_space<vmem>>, vector<2048x128xf32>,
    %swap3A_35 = arith.constant 0 : index
    %swap3A_36 = arith.constant 0 : index
    %swap3A_37 = vector.load %arg6[%swap3A_35, %swap3A_36] : memref<2048x1xf32, #tpu.memory_space<vmem>>, vector<2048x1xf32>
    tpu.vector_store %arg6[%swap3A_35, %swap3A_36], %max3A_21 {strides = array<i32>} : memref<2048x1xf32, #tpu.memory_space<vmem>>, vector<2048x1xf32>,
    return
  }
  func.func @transform_0(%arg0: i32) -> (i32, i32, i32) {
    %c0_i32 = arith.constant 0 : i32
    %c0_i32_0 = arith.constant 0 : i32
    %c0_i32_1 = arith.constant 0 : i32
    return %c0_i32, %arg0, %c0_i32_0 : i32, i32, i32
  }
  func.func @transform_1(%arg0: i32) -> (i32, i32, i32) {
    %c0_i32 = arith.constant 0 : i32
    %c0_i32_0 = arith.constant 0 : i32
    %c0_i32_1 = arith.constant 0 : i32
    return %c0_i32, %arg0, %c0_i32_0 : i32, i32, i32
  }
  func.func @transform_2(%arg0: i32) -> (i32, i32) {
    %c0_i32 = arith.constant 0 : i32
    %c0_i32_0 = arith.constant 0 : i32
    %c0_i32_1 = arith.constant 0 : i32
    return %c0_i32, %c0_i32_0 : i32, i32
  }
  func.func @transform_3(%arg0: i32) -> (i32, i32) {
    %c0_i32 = arith.constant 0 : i32
    %c0_i32_0 = arith.constant 0 : i32
    return %arg0, %c0_i32 : i32, i32
  }
  func.func @transform_4(%arg0: i32) -> (i32, i32) {
    %c0_i32 = arith.constant 0 : i32
    %c0_i32_0 = arith.constant 0 : i32
    return %arg0, %c0_i32 : i32, i32
  }
  func.func @transform_5(%arg0: i32) -> (i32, i32) {
    %c0_i32 = arith.constant 0 : i32
    %c0_i32_0 = arith.constant 0 : i32
    return %arg0, %c0_i32 : i32, i32
  }
}

module attributes {stable_mosaic.version = 14 : i64} {
  func.func @_dec_body(%arg0: i32, %arg1: memref<2x2048x128xf32, #tpu.memory_space<vmem>>, %arg2: memref<2048x1xf32, #tpu.memory_space<vmem>>, %arg3: memref<2048x128xf32, #tpu.memory_space<vmem>>, %arg4: memref<128x128xf32, #tpu.memory_space<vmem>>, %arg5: memref<128x128xf32, #tpu.memory_space<vmem>>, %arg6: memref<128x128xf32, #tpu.memory_space<vmem>>, %arg7: memref<128x1xf32, #tpu.memory_space<vmem>>, %arg8: memref<128x132xf32, #tpu.memory_space<vmem>>, %arg9: memref<128x19xf32, #tpu.memory_space<vmem>>, %arg10: memref<2048x19xf32, #tpu.memory_space<vmem>>, %arg11: memref<2048x1xf32, #tpu.memory_space<vmem>>, %arg12: memref<2048x132xf32, #tpu.memory_space<vmem>>, %arg13: memref<2048x128xf32, #tpu.memory_space<vmem>>) attributes {dimension_semantics = [#tpu.dimension_semantics<arbitrary>], iteration_bounds = array<i64: 5>, scalar_prefetch = 0 : i64, scratch_operands = 0 : i64, tpu.core_type = #tpu.core_type<tc>, window_params = [{transform_indices = @transform_0, window_bounds = array<i64: 2, 2048, 128>}, {transform_indices = @transform_1, window_bounds = array<i64: 2048, 1>}, {transform_indices = @transform_2, window_bounds = array<i64: 2048, 128>}, {pipeline_mode = #tpu.pipeline_mode<synchronous>, transform_indices = @transform_3, window_bounds = array<i64: 128, 128>}, {pipeline_mode = #tpu.pipeline_mode<synchronous>, transform_indices = @transform_4, window_bounds = array<i64: 128, 128>}, {pipeline_mode = #tpu.pipeline_mode<synchronous>, transform_indices = @transform_5, window_bounds = array<i64: 128, 128>}, {pipeline_mode = #tpu.pipeline_mode<synchronous>, transform_indices = @transform_6, window_bounds = array<i64: 128, 1>}, {pipeline_mode = #tpu.pipeline_mode<synchronous>, transform_indices = @transform_7, window_bounds = array<i64: 128, 132>}, {pipeline_mode = #tpu.pipeline_mode<synchronous>, transform_indices = @transform_8, window_bounds = array<i64: 128, 19>}, {transform_indices = @transform_9, window_bounds = array<i64: 2048, 19>}, {transform_indices = @transform_10, window_bounds = array<i64: 2048, 1>}, {transform_indices = @transform_11, window_bounds = array<i64: 2048, 132>}, {transform_indices = @transform_12, window_bounds = array<i64: 2048, 128>}]} {
    %get3A = arith.constant 0 : index
    %get3A_0 = arith.constant 0 : index
    %get3A_1 = arith.constant 0 : index
    %get3A_2 = vector.load %arg1[%get3A, %get3A_0, %get3A_1] : memref<2x2048x128xf32, #tpu.memory_space<vmem>>, vector<1x2048x128xf32>
    %get3A_3 = vector.shape_cast %get3A_2 : vector<1x2048x128xf32> to vector<2048x128xf32>
    %get3A_4 = arith.constant 1 : index
    %get3A_5 = arith.constant 0 : index
    %get3A_6 = arith.constant 0 : index
    %get3A_7 = vector.load %arg1[%get3A_4, %get3A_5, %get3A_6] : memref<2x2048x128xf32, #tpu.memory_space<vmem>>, vector<1x2048x128xf32>
    %get3A_8 = vector.shape_cast %get3A_7 : vector<1x2048x128xf32> to vector<2048x128xf32>
    %add3A = arith.addf %get3A_3, %get3A_8 : vector<2048x128xf32>
    %get3A_9 = arith.constant 0 : index
    %get3A_10 = arith.constant 0 : index
    %get3A_11 = vector.load %arg2[%get3A_9, %get3A_10] : memref<2048x1xf32, #tpu.memory_space<vmem>>, vector<2048x1xf32>
    %max3A = arith.constant 0.000000e+00 : f32
    %max3A_12 = vector.broadcast %max3A : f32 to vector<2048x128xf32>
    %max3A_13 = arith.maximumf %add3A, %max3A_12 : vector<2048x128xf32>
    %div3A = vector.broadcast %get3A_11 : vector<2048x1xf32> to vector<2048x128xf32>
    %div3A_14 = arith.divf %max3A_13, %div3A : vector<2048x128xf32>
    %get3A_15 = arith.constant 0 : index
    %get3A_16 = arith.constant 0 : index
    %get3A_17 = vector.load %arg4[%get3A_15, %get3A_16] : memref<128x128xf32, #tpu.memory_space<vmem>>, vector<128x128xf32>
    %dot_general3A = arith.constant dense<0.000000e+00> : vector<2048x128xf32>
    %dot_general3A_18 = tpu.matmul %div3A_14, %get3A_17, %dot_general3A {dimension_numbers = #tpu.dot_dimension_numbers<[1], [0], [0], [1], [0, 0, 1, 1], [], []>, transpose_lhs_hint = false} : vector<2048x128xf32>, vector<128x128xf32>, vector<2048x128xf32> -> vector<2048x128xf32>
    %get3A_19 = arith.constant 0 : index
    %get3A_20 = arith.constant 0 : index
    %get3A_21 = vector.load %arg3[%get3A_19, %get3A_20] : memref<2048x128xf32, #tpu.memory_space<vmem>>, vector<2048x128xf32>
    %get3A_22 = arith.constant 0 : index
    %get3A_23 = arith.constant 0 : index
    %get3A_24 = vector.load %arg5[%get3A_22, %get3A_23] : memref<128x128xf32, #tpu.memory_space<vmem>>, vector<128x128xf32>
    %dot_general3A_25 = arith.constant dense<0.000000e+00> : vector<2048x128xf32>
    %dot_general3A_26 = tpu.matmul %get3A_21, %get3A_24, %dot_general3A_25 {dimension_numbers = #tpu.dot_dimension_numbers<[1], [0], [0], [1], [0, 0, 1, 1], [], []>, transpose_lhs_hint = false} : vector<2048x128xf32>, vector<128x128xf32>, vector<2048x128xf32> -> vector<2048x128xf32>
    %add3A_27 = arith.addf %dot_general3A_18, %dot_general3A_26 : vector<2048x128xf32>
    %max3A_28 = arith.constant 0.000000e+00 : f32
    %max3A_29 = vector.broadcast %max3A_28 : f32 to vector<2048x128xf32>
    %max3A_30 = arith.maximumf %add3A_27, %max3A_29 : vector<2048x128xf32>
    %get3A_31 = arith.constant 0 : index
    %get3A_32 = arith.constant 0 : index
    %get3A_33 = vector.load %arg6[%get3A_31, %get3A_32] : memref<128x128xf32, #tpu.memory_space<vmem>>, vector<128x128xf32>
    %dot_general3A_34 = arith.constant dense<0.000000e+00> : vector<2048x128xf32>
    %dot_general3A_35 = tpu.matmul %max3A_30, %get3A_33, %dot_general3A_34 {dimension_numbers = #tpu.dot_dimension_numbers<[1], [0], [0], [1], [0, 0, 1, 1], [], []>, transpose_lhs_hint = false} : vector<2048x128xf32>, vector<128x128xf32>, vector<2048x128xf32> -> vector<2048x128xf32>
    %ge3A = arith.constant 0.000000e+00 : f32
    %ge3A_36 = vector.broadcast %ge3A : f32 to vector<2048x128xf32>
    %ge3A_37 = arith.cmpf oge, %dot_general3A_35, %ge3A_36 : vector<2048x128xf32>
    %mul3A = arith.constant 1.000000e-01 : f32
    %mul3A_38 = vector.broadcast %mul3A : f32 to vector<2048x128xf32>
    %mul3A_39 = arith.mulf %mul3A_38, %dot_general3A_35 : vector<2048x128xf32>
    %select_n3A = arith.select %ge3A_37, %dot_general3A_35, %mul3A_39 : vector<2048x128xi1>, vector<2048x128xf32>
    %swap3A = arith.constant 0 : index
    %swap3A_40 = arith.constant 0 : index
    %swap3A_41 = vector.load %arg13[%swap3A, %swap3A_40] : memref<2048x128xf32, #tpu.memory_space<vmem>>, vector<2048x128xf32>
    tpu.vector_store %arg13[%swap3A, %swap3A_40], %select_n3A {strides = array<i32>} : memref<2048x128xf32, #tpu.memory_space<vmem>>, vector<2048x128xf32>,
    %get3A_42 = arith.constant 0 : index
    %get3A_43 = arith.constant 0 : index
    %get3A_44 = vector.load %arg7[%get3A_42, %get3A_43] : memref<128x1xf32, #tpu.memory_space<vmem>>, vector<128x1xf32>
    %dot_general3A_45 = arith.constant dense<0.000000e+00> : vector<2048x1xf32>
    %dot_general3A_46 = tpu.matmul %select_n3A, %get3A_44, %dot_general3A_45 {dimension_numbers = #tpu.dot_dimension_numbers<[1], [0], [0], [1], [0, 0, 1, 1], [], []>, transpose_lhs_hint = false} : vector<2048x128xf32>, vector<128x1xf32>, vector<2048x1xf32> -> vector<2048x1xf32>
    %neg3A = arith.constant 0.000000e+00 : f32
    %neg3A_47 = vector.broadcast %neg3A : f32 to vector<2048x1xf32>
    %neg3A_48 = arith.subf %neg3A_47, %dot_general3A_46 : vector<2048x1xf32>
    %exp3A = math.exp %neg3A_48 : vector<2048x1xf32>
    %add3A_49 = arith.constant 1.000000e+00 : f32
    %add3A_50 = vector.broadcast %add3A_49 : f32 to vector<2048x1xf32>
    %add3A_51 = arith.addf %add3A_50, %exp3A : vector<2048x1xf32>
    %div3A_52 = arith.constant 1.000000e+00 : f32
    %div3A_53 = vector.broadcast %div3A_52 : f32 to vector<2048x1xf32>
    %div3A_54 = arith.divf %div3A_53, %add3A_51 : vector<2048x1xf32>
    %swap3A_55 = arith.constant 0 : index
    %swap3A_56 = arith.constant 0 : index
    %swap3A_57 = vector.load %arg11[%swap3A_55, %swap3A_56] : memref<2048x1xf32, #tpu.memory_space<vmem>>, vector<2048x1xf32>
    tpu.vector_store %arg11[%swap3A_55, %swap3A_56], %div3A_54 {strides = array<i32>} : memref<2048x1xf32, #tpu.memory_space<vmem>>, vector<2048x1xf32>,
    %get3A_58 = arith.constant 0 : index
    %get3A_59 = arith.constant 0 : index
    %get3A_60 = vector.load %arg8[%get3A_58, %get3A_59] : memref<128x132xf32, #tpu.memory_space<vmem>>, vector<128x132xf32>
    %dot_general3A_61 = arith.constant dense<0.000000e+00> : vector<2048x132xf32>
    %dot_general3A_62 = tpu.matmul %select_n3A, %get3A_60, %dot_general3A_61 {dimension_numbers = #tpu.dot_dimension_numbers<[1], [0], [0], [1], [0, 0, 1, 1], [], []>, transpose_lhs_hint = false} : vector<2048x128xf32>, vector<128x132xf32>, vector<2048x132xf32> -> vector<2048x132xf32>
    %max3A_63 = arith.constant 0.000000e+00 : f32
    %max3A_64 = vector.broadcast %max3A_63 : f32 to vector<2048x132xf32>
    %max3A_65 = arith.maximumf %dot_general3A_62, %max3A_64 : vector<2048x132xf32>
    %swap3A_66 = arith.constant 0 : index
    %swap3A_67 = arith.constant 0 : index
    %swap3A_68 = vector.load %arg12[%swap3A_66, %swap3A_67] : memref<2048x132xf32, #tpu.memory_space<vmem>>, vector<2048x132xf32>
    tpu.vector_store %arg12[%swap3A_66, %swap3A_67], %max3A_65 {strides = array<i32>} : memref<2048x132xf32, #tpu.memory_space<vmem>>, vector<2048x132xf32>,
    %get3A_69 = arith.constant 0 : index
    %get3A_70 = arith.constant 0 : index
    %get3A_71 = vector.load %arg9[%get3A_69, %get3A_70] : memref<128x19xf32, #tpu.memory_space<vmem>>, vector<128x19xf32>
    %dot_general3A_72 = arith.constant dense<0.000000e+00> : vector<2048x19xf32>
    %dot_general3A_73 = tpu.matmul %select_n3A, %get3A_71, %dot_general3A_72 {dimension_numbers = #tpu.dot_dimension_numbers<[1], [0], [0], [1], [0, 0, 1, 1], [], []>, transpose_lhs_hint = false} : vector<2048x128xf32>, vector<128x19xf32>, vector<2048x19xf32> -> vector<2048x19xf32>
    %swap3A_74 = arith.constant 0 : index
    %swap3A_75 = arith.constant 0 : index
    %swap3A_76 = vector.load %arg10[%swap3A_74, %swap3A_75] : memref<2048x19xf32, #tpu.memory_space<vmem>>, vector<2048x19xf32>
    tpu.vector_store %arg10[%swap3A_74, %swap3A_75], %dot_general3A_73 {strides = array<i32>} : memref<2048x19xf32, #tpu.memory_space<vmem>>, vector<2048x19xf32>,
    return
  }
  func.func @transform_0(%arg0: i32) -> (i32, i32, i32) {
    %c0_i32 = arith.constant 0 : i32
    %c0_i32_0 = arith.constant 0 : i32
    %c0_i32_1 = arith.constant 0 : i32
    return %c0_i32, %arg0, %c0_i32_0 : i32, i32, i32
  }
  func.func @transform_1(%arg0: i32) -> (i32, i32) {
    %c0_i32 = arith.constant 0 : i32
    %c0_i32_0 = arith.constant 0 : i32
    return %arg0, %c0_i32 : i32, i32
  }
  func.func @transform_2(%arg0: i32) -> (i32, i32) {
    %c0_i32 = arith.constant 0 : i32
    %c0_i32_0 = arith.constant 0 : i32
    return %arg0, %c0_i32 : i32, i32
  }
  func.func @transform_3(%arg0: i32) -> (i32, i32) {
    %c0_i32 = arith.constant 0 : i32
    %c0_i32_0 = arith.constant 0 : i32
    %c0_i32_1 = arith.constant 0 : i32
    return %c0_i32, %c0_i32_0 : i32, i32
  }
  func.func @transform_4(%arg0: i32) -> (i32, i32) {
    %c0_i32 = arith.constant 0 : i32
    %c0_i32_0 = arith.constant 0 : i32
    %c0_i32_1 = arith.constant 0 : i32
    return %c0_i32, %c0_i32_0 : i32, i32
  }
  func.func @transform_5(%arg0: i32) -> (i32, i32) {
    %c0_i32 = arith.constant 0 : i32
    %c0_i32_0 = arith.constant 0 : i32
    %c0_i32_1 = arith.constant 0 : i32
    return %c0_i32, %c0_i32_0 : i32, i32
  }
  func.func @transform_6(%arg0: i32) -> (i32, i32) {
    %c0_i32 = arith.constant 0 : i32
    %c0_i32_0 = arith.constant 0 : i32
    %c0_i32_1 = arith.constant 0 : i32
    return %c0_i32, %c0_i32_0 : i32, i32
  }
  func.func @transform_7(%arg0: i32) -> (i32, i32) {
    %c0_i32 = arith.constant 0 : i32
    %c0_i32_0 = arith.constant 0 : i32
    %c0_i32_1 = arith.constant 0 : i32
    return %c0_i32, %c0_i32_0 : i32, i32
  }
  func.func @transform_8(%arg0: i32) -> (i32, i32) {
    %c0_i32 = arith.constant 0 : i32
    %c0_i32_0 = arith.constant 0 : i32
    %c0_i32_1 = arith.constant 0 : i32
    return %c0_i32, %c0_i32_0 : i32, i32
  }
  func.func @transform_9(%arg0: i32) -> (i32, i32) {
    %c0_i32 = arith.constant 0 : i32
    %c0_i32_0 = arith.constant 0 : i32
    return %arg0, %c0_i32 : i32, i32
  }
  func.func @transform_10(%arg0: i32) -> (i32, i32) {
    %c0_i32 = arith.constant 0 : i32
    %c0_i32_0 = arith.constant 0 : i32
    return %arg0, %c0_i32 : i32, i32
  }
  func.func @transform_11(%arg0: i32) -> (i32, i32) {
    %c0_i32 = arith.constant 0 : i32
    %c0_i32_0 = arith.constant 0 : i32
    return %arg0, %c0_i32 : i32, i32
  }
  func.func @transform_12(%arg0: i32) -> (i32, i32) {
    %c0_i32 = arith.constant 0 : i32
    %c0_i32_0 = arith.constant 0 : i32
    return %arg0, %c0_i32 : i32, i32
  }
}

</mosaic_0001>

<sc_bundles>
// kernel: kernel.11.cloned.1.call-start
scs
__scs_entry_jumppad:
0x0: {  	(pc) =	sbr.rel $0x88, $3  }
0x1: {  	(tag) =	ssettag $0x0;
	lr =	simm.s32 $0x1  }
0x2: {  	[smem:$0x3F98] =	sst lr;
	_ =	strace $0xD0000000  }
0x3: {  	_ = 	snop  }
0x4: {  	_ = 	snop  }
0x5: {  	_ = 	snop  }
0x6: {  	_ = 	snop  }
0x7: {  	_ = 	snop  }
__scs_overlays_trampoline_lowered:
0x8: {  	[smem:$0x3FA7] =	sst s0  }
0x9: {  	[smem:$0x3FA8] =	sst s1  }
0xa: {  	[smem:$0x3FA9] =	sst s2  }
0xb: {  	[smem:$0x3FAA] =	sst s3  }
0xc: {  	[smem:$0x3FAB] =	sst s4  }
0xd: {  	[smem:$0x3FAC] =	sst s5  }
0xe: {  	[smem:$0x3FAD] =	sst s6  }
0xf: {  	[smem:$0x3FAE] =	sst s7  }
0x10: {  	[smem:$0x3FAF] =	sst s8  }
0x11: {  	[smem:$0x3FB0] =	sst s9;
	s0 =	simm.s32 @!p0 $0x0  }
0x12: {  	s1 =	sld [smem:$0x3F96];
	s0 =	simm.s32 @p0 $0x1  }
0x13: {  	[smem:$0x3FB1] =	sst s0;
	s0 =	simm.s32 @!p1 $0x0  }
0x14: {  	s2 =	sld [smem:$0x3F95];
	s0 =	simm.s32 @p1 $0x1  }
0x15: {  	[smem:$0x3FB2] =	sst s0;
	s0 =	simm.s32 @!p2 $0x0  }
0x16: {  	s3 =	sld [smem:$0x3FDB];
	s0 =	simm.s32 @p2 $0x1  }
0x17: {  	s4 =	simm.s32 $0x1BF5;
	[smem:$0x3FB4] =	sst s0  }
0x18: {  	s0 =	sld [smem:$0x3F97];
	_ =	swait.ge [sflag:s4], $0x0  }
0x19: {  	s7 =	sld [smem:$0x3F98]  }
0x1a: {  	s8 =	sadd.s32 $0xFFFFE003, lr  }
0x1b: {  	s9 =	sadd.s32 $0xFFFFFEF7, lr;
	s5 =	simm.s32 $0xFFFFFFFF;
	p2 =	slt.u32 s8, $0xFFFFF086  }
0x1c: {  	p1 =	slt.u32 s9, $0xF7A;
	s5 =	simm.s32 @!p2 $0x0  }
0x1d: {  	s5 =	simm.s32 @p1 $0x1;
	p0 =	seq.s32 s7, s2  }
0x1e: {  	s7 =	smul.u32 @!p0 $0xF7A, s2;
	p2 =	seq.s32 @!p0 s5, $0x0  }
0x1f: {  	s9 =	smul.u32 $0xF7A, s1;
	s8 =	simm.s32 @!p0 $0x1BF5;
	p2 =	por !p2, p0  }
0x20: {  	[sflag:s8] =	ssyncset.s32 @!p0 $0xFFFFF086;
	s6 =	sadd.s32 @!p0 s3, s7;
	s7 =	simm.s32 @!p0 $0x108  }
0x21: {  	s3 =	sadd.s32 s3, s9;
	s6 =	sadd.s32 @!p0 $0x88, s6;
	s7 =	simm.s32 @p2 $0x1082  }
0x22: {  	[simem:s7], [sflag:s8] =	dma.local @!p0 [hbm:s6], $0xF7A  }
0x23: {  	s9 =	sor.u32 $0xD0000000, s2;
	s6 =	simm.s32 $0x108;
	_ =	swait.ge @!p0 [sflag:s8], $0x0  }
0x24: {  	s3 =	sadd.s32 $0x88, s3;
	s6 =	simm.s32 @!p1 $0x1082;
	[sflag:s4] =	ssyncset.s32 $0xFFFFF086  }
0x25: {  	[simem:s6], [sflag:s4] =	dma.local [hbm:s3], $0xF7A  }
0x26: {  	[smem:$0x3F98] =	sst s1;
	(tag) =	ssettag s2;
	_ =	strace s9  }
0x27: {  	s1 =	sld [smem:$0x3FA8]  }
0x28: {  	s2 =	sld [smem:$0x3FA9]  }
0x29: {  	s4 =	sld [smem:$0x3FAB]  }
0x2a: {  	p0 =	seq.s32 s5, $0x0;
	s5 =	sld [smem:$0x3FAC]  }
0x2b: {  	s6 =	sld [smem:$0x3FAD]  }
0x2c: {  	s7 =	sld [smem:$0x3FAE]  }
0x2d: {  	s3 =	simm.s32 $0x108;
	s8 =	sld [smem:$0x3FAF]  }
0x2e: {  	s3 =	simm.s32 @!p0 $0x1082;
	s9 =	sld [smem:$0x3FB0]  }
0x2f: {  	lr =	sadd.s32 s0, s3;
	s0 =	sld [smem:$0x3FA7]  }
0x30: {  	s3 =	sld [smem:$0x3FAA]  }
0x31: {  	[smem:$0x3FB3] =	sst s10  }
0x32: {  	s10 =	sld [smem:$0x3FB1];
	_ =	sdelay $0x3  }
0x33: {  	p0 =	seq.s32 s10, $0x1;
	s10 =	sld [smem:$0x3FB3];
	_ =	sdelay $0x3  }
0x34: {  	[smem:$0x3FB3] =	sst s10  }
0x35: {  	s10 =	sld [smem:$0x3FB2];
	_ =	sdelay $0x3  }
0x36: {  	p1 =	seq.s32 s10, $0x1;
	s10 =	sld [smem:$0x3FB3];
	_ =	sdelay $0x3  }
0x37: {  	[smem:$0x3FB3] =	sst s10  }
0x38: {  	s10 =	sld [smem:$0x3FB4]  }
0x39: {  	_ = 	snop;
	(pc) =	sbr.ind lr, $3  }
0x3a: {  	_ = 	snop  }
0x3b: {  	_ = 	snop  }
0x3c: {  	p2 =	seq.s32 s10, $0x1;
	s10 =	sld [smem:$0x3FB3]  }
0x3d: {  	_ =	shalt  }
0x3e: {  	_ =	shalt  }
0x3f: {  	_ =	shalt  }
0x40: {  	_ =	shalt  }
0x41: {  	_ =	shalt  }
0x42: {  	_ =	shalt  }
0x43: {  	_ =	shalt  }
0x44: {  	_ =	shalt  }
0x45: {  	_ =	shalt  }
0x46: {  	_ =	shalt  }
0x47: {  	_ =	shalt  }
0x48: {  	_ =	shalt  }
0x49: {  	_ =	shalt  }
0x4a: {  	_ =	shalt  }
0x4b: {  	_ =	shalt  }
0x4c: {  	_ =	shalt  }
0x4d: {  	_ =	shalt  }
0x4e: {  	_ =	shalt  }
0x4f: {  	_ =	shalt  }
0x50: {  	_ =	shalt  }
0x51: {  	_ =	shalt  }
0x52: {  	_ =	shalt  }
0x53: {  	_ =	shalt  }
0x54: {  	_ =	shalt  }
0x55: {  	_ =	shalt  }
0x56: {  	_ =	shalt  }
0x57: {  	_ =	shalt  }
0x58: {  	_ =	shalt  }
0x59: {  	_ =	shalt  }
0x5a: {  	_ =	shalt  }
0x5b: {  	_ =	shalt  }
0x5c: {  	_ =	shalt  }
0x5d: {  	_ =	shalt  }
0x5e: {  	_ =	shalt  }
0x5f: {  	_ =	shalt  }
0x60: {  	_ =	shalt  }
0x61: {  	_ =	shalt  }
0x62: {  	_ =	shalt  }
0x63: {  	_ =	shalt  }
0x64: {  	_ =	shalt  }
0x65: {  	_ =	shalt  }
0x66: {  	_ =	shalt  }
0x67: {  	_ =	shalt  }
0x68: {  	_ =	shalt  }
0x69: {  	_ =	shalt  }
0x6a: {  	_ =	shalt  }
0x6b: {  	_ =	shalt  }
0x6c: {  	_ =	shalt  }
0x6d: {  	_ =	shalt  }
0x6e: {  	_ =	shalt  }
0x6f: {  	_ =	shalt  }
0x70: {  	_ =	shalt  }
0x71: {  	_ =	shalt  }
0x72: {  	_ =	shalt  }
0x73: {  	_ =	shalt  }
0x74: {  	_ =	shalt  }
0x75: {  	_ =	shalt  }
0x76: {  	_ =	shalt  }
0x77: {  	_ =	shalt  }
0x78: {  	_ =	shalt  }
0x79: {  	_ =	shalt  }
0x7a: {  	_ =	shalt  }
0x7b: {  	_ =	shalt  }
0x7c: {  	_ =	shalt  }
0x7d: {  	_ =	shalt  }
0x7e: {  	_ =	shalt  }
0x7f: {  	_ =	shalt  }
0x80: {  	_ =	shalt  }
0x81: {  	_ =	shalt  }
0x82: {  	_ =	shalt  }
0x83: {  	_ =	shalt  }
0x84: {  	_ =	shalt  }
0x85: {  	_ =	shalt  }
0x86: {  	_ =	shalt  }
0x87: {  	_ =	shalt  }
.Lfunc_end0:
.L_simem_size_0:
called_computation.1_lowered:
.L_overlay_start_0:
0x88: {  	s2 =	sld [smem:$0x3FD9]  }
0x89: {  	s3 =	sld [smem:$0x3FFE];
	_ =	sdelay $0x1  }
0x8a: {  	s1 =	srdreg.scid  }
0x8b: {  	s0 =	sand.u32 $0x1, s1  }
0x8c: {  	s15 =	sshll.u32 s0, $0xA;
	s2 =	sadd.s32 s3, s2  }
0x8d: {  	s2 =	sadd.s32 s2, s15  }
0x8e: {  	[smem:$0x3FBF] =	sst s2  }
0x8f: {  	_ = 	snop  }
0x90: {  	s2 =	sld [smem:$0x3FD0];
	_ =	sdelay $0x2  }
0x91: {  	s4 =	simm.s32 $0xB;
	s16 =	simm.s32 $0x10  }
0x92: {  	[smem:s16], [sflag:s4] =	dma.local [hbm:s2], $0x1  }
0x93: {  	_ =	swait.eq [sflag:s4], $0x1  }
0x94: {  	[sflag:s4] =	ssyncset.done $0x0  }
0x95: {  	s17 =	sld [smem:$0x12];
	[sflag:s4] =	ssyncadd.s32 $0xFFFFFFFF  }
0x96: {  	s18 =	sld [smem:$0x13];
	(tm) =	ssettm $0x1  }
0x97: {  	s19 =	sld [smem:$0x3FFB];
	_ =	sdelay $0x3  }
0x98: {  	_ =	strace s19  }
0x99: {  	s2 =	sld [smem:$0x3FFC];
	_ =	sdelay $0x3  }
0x9a: {  	_ =	strace s2  }
0x9b: {  	s2 =	sld [smem:$0x3FFD];
	_ =	sdelay $0x3  }
0x9c: {  	_ =	strace s2  }
0x9d: {  	_ =	strace $0x8FFFFFFF  }
0x9e: {  	s20 =	sld [smem:$0x3FDB];
	_ =	sdelay $0x1  }
0x9f: {  	s5 =	simm.s32 $_scs_section_size  }
0xa0: {  	s6 =	simm.s32 $_size__tile_overlayer_lowered;
	s7 =	simm.s32 $_tile_overlayer_lowered  }
0xa1: {  	s8 =	simm.s32 $0x1BFF;
	s21 =	sshll.u32 s7, $0x1;
	s5 =	sadd.s32 s5, s20  }
0xa2: {  	s22 =	simm.s32 $0x0;
	s6 =	sshll.u32 s6, $0x1;
	s7 =	sadd.s32 s21, s5  }
0xa3: {  	[timem:s22], [sflag:s8] =	dma.local [hbm:s7], s6  }
0xa4: {  	_ =	swait.ge [sflag:s8], s6  }
0xa5: {  	s6 =	ssub.s32 $0x0, s6;
	[sflag:s8] =	ssyncset.done $0x0  }
0xa6: {  	[sflag:s8] =	ssyncadd.s32 s6;
	_ =	sdelay $0x1  }
0xa7: {  	s23 =	simm.s32 $0x1B8B  }
0xa8: {  	_ =	swait.ge [sflag:s23], $0x1  }
0xa9: {  	[sflag:s23] =	ssyncset.done $0x0  }
0xaa: {  	[sflag:s23] =	ssyncadd.s32 $0xFFFFFFFF  }
0xab: {  	s6 =	sld [smem:$0x0]  }
0xac: {  	s7 =	sand.u32 $0xFFFFFFFE, s1  }
0xad: {  	p0 =	sne.s32 s1, s7  }
0xae: {  	s7 =	sshll.u32 @p0 s7, $0xE  }
0xaf: {  	s7 =	sadd.s32 @p0 $0x11B8D, s7;
	s8 =	sshll.u32 @p0 s6, $0x11  }
0xb0: {  	s7 =	sor.u32 @p0 s8, s7  }
0xb1: {  	[sflag:s7] =	ssyncadd.remote.s32 @p0 $0x1;
	_ =	sdelay $0x1  }
0xb2: {  	s7 =	simm.s32 @p0 $0x1B8D  }
0xb3: {  	_ =	swait.eq @p0 [sflag:s7], $0x1  }
0xb4: {  	[sflag:s7] =	ssyncadd.s32 @p0 $0xFFFFFFFF  }
0xb5: {  	s8 =	sshll.u32 @!p0 s1, $0xE  }
0xb6: {  	s8 =	sor.u32 @!p0 $0x4000, s8;
	s7 =	simm.s32 @!p0 $0x1B8D  }
0xb7: {  	s6 =	sshll.u32 @!p0 s6, $0x11;
	s8 =	sadd.s32 @!p0 $0x11B8D, s8;
	_ =	swait.eq @!p0 [sflag:s7], $0x1  }
0xb8: {  	s6 =	sor.u32 @!p0 s6, s8;
	[sflag:s7] =	ssyncadd.s32 @!p0 $0xFFFFFFFF  }
0xb9: {  	s25 =	simm.s32 $0x1B8E;
	s24 =	sld [smem:$0x3FFE];
	[sflag:s6] =	ssyncadd.remote.s32 @!p0 $0x1  }
0xba: {  	s26 =	simm.s32 $execute0_lowered;
	[smem:$0x3FD2] =	sst s25  }
0xbb: {  	s7 =	sshll.u32 s26, $0x1;
	_ =	strace $0x80000049;
	[dreg:$0x1] =	wrdreg $0xFFFFFFFF  }
0xbc: {  	s28 =	simm.s32 $_size_execute0_lowered;
	s5 =	sadd.s32 s5, s7;
	[dreg:$0x0] =	wrdreg $0x0  }
0xbd: {  	s7 =	sshll.u32 s28, $0x1;
	[dreg:$0x2] =	wrdreg s5  }
0xbe: {  	[dreg:$0x3] =	wrdreg s7  }
0xbf: {  	[dreg:$0x4] =	wrdreg $0xC0  }
0xc0: {  	_ =	task [dreg:s22], $0x5FFFF  }
0xc1: {  	[dreg:$0x1] =	wrdreg $0xFFFFFFFF  }
0xc2: {  	[dreg:$0x0] =	wrdreg $0x60  }
0xc3: {  	[dreg:$0x2] =	wrdreg s17  }
0xc4: {  	[dreg:$0x3] =	wrdreg s18  }
0xc5: {  	[dreg:$0x4] =	wrdreg s24  }
0xc6: {  	[dreg:$0x5] =	wrdreg $0x90000  }
0xc7: {  	[dreg:$0x6] =	wrdreg $0xA  }
0xc8: {  	_ =	task.clear_ibuf [dreg:s22], $0x7FFFF;
	_ =	strace $0x90000049  }
0xc9: {  	s29 =	simm.s32 $0xA;
	_ =	strace $0x8000004B  }
0xca: {  	_ =	swait.ge [sflag:s29], $0x1  }
0xcb: {  	[sflag:s29] =	ssyncadd.s32 $0xFFFFFFFF  }
0xcc: {  	_ =	strace $0x9000004B  }
0xcd: {  	_ =	sfence  }
0xce: {  	s30 =	sld [smem:$0x0];
	_ =	sdelay $0x2  }
0xcf: {  	s31 =	sshll.u32 s1, $0xD;
	s1 =	sshrl.u32 s1, $0x2  }
0xd0: {  	s4 =	sand.u32 $0x4000, s31;
	s1 =	sadd.s32 s1, s30  }
0xd1: {  	s0 =	sor.u32 s4, s0;
	s1 =	sshll.u32 s1, $0x11  }
0xd2: {  	s0 =	sor.u32 s1, s0  }
0xd3: {  	s0 =	sadd.s32 $0x8F2B, s0  }
0xd4: {  	[sflag:s0] =	ssyncadd.remote.s32 $0x1  }
0xd5: {  	_ =	sfence.sel $0xFFFF  }
0xd6: {  	[dreg:$0x0] =	wrdreg $0xFFFFFFFF;
	(pc) =	sbr.abs _section_cstart, $3  }
0xd7: {  	[dreg:$0x1] =	wrdreg $0xFFFFFFFF  }
0xd8: {  	_ =	task.clear_ibuf [dreg:s22], $0x2FFFF;
	_ =	strace $0x9FFFFFFF  }
0xd9: {  	(tm) =	ssettm $0x7FFFFFFF  }
tec
execute0_lowered:
.L_overlay_start_1:
0x0: {  	(tag) =	ssettag $0x1  }
0x1: {  	s1 =	rddreg [dreg:$0x0]  }
0x2: {  	s6 =	rddreg [dreg:$0x1]  }
0x3: {  	s7 =	rddreg [dreg:$0x2]  }
0x4: {  	s0 =	srdreg.scid;
	s3 =	rddreg [dreg:$0x3];
	s4 =	simm.s32 $0x0  }
0x5: {  	s14 =	simm.s32 $0x2800;
	s15 =	simm.s32 $0x5000;
	s16 =	simm.s32 $0x80  }
0x6: {  	s17 =	simm.s32 $0x1;
	s5 =	sand.u32 $0x1, s0;
	s0 =	stileid.u32  }
0x7: {  	s21 =	simm.s32 $0x0;
	[smem:$0x7FF] =	sst s4;
	s9 =	smul.u32 $0x28000, s5  }
0x8: {  	s2 =	sshll.u32 s5, $0x4;
	s10 =	smul.u32 $0x50000, s0;
	s5 =	ssub.s32 $0x2, s5  }
0x9: {  	s19 =	smul.u32 $0x2800, s0;
	s31 =	sshll.u32 s0, $0x6;
	s2 =	sor.u32 s0, s2  }
0xa: {  	s29 =	sshrl.u32 s5, $0x1;
	s8 =	smul.u32 $0x500, s2;
	s2 =	rddreg [dreg:$0x4]  }
0xb: {  	_ =	strace $0x8000004A;
	s12 =	sadd.s32 s9, s7;
	s13 =	ssub.s32 s5, s29  }
0xc: {  	s30 =	sshrl.u32 s10, $0x2;
	s18 =	sadd.s32 $0xD400, s12;
	s12 =	smax.u32 s13, $0x1  }
0xd: {  	s13 =	simm.s32 $0x2;
	s11 =	sadd.s32 s8, s7;
	s5 =	sadd.s32 s6, s8  }
0xe: {  	s6 =	sadd.s32 s30, s3;
	s18 =	sadd.s32 s19, s18;
	s19 =	sor.u32 $0x1C02, s31  }
0xf: {  	s7 =	sadd.s32 $0x3400, s11;
	s8 =	sadd.s32 $0x4000, s6;
	s9 =	sadd.s32 $0x8000, s6  }
0x10: {  	v0 =	vimm.f32 $0.0e+00;
	s10 =	sadd.s32 $0xC000, s6;
	s11 =	sadd.s32 $0x10000, s6;
	s20 =	sshrl.u32 s6, $0x3  }
.LBB2_1:
0x11: {  	[tilespmem:s4], [sflag:$0x2] =	stream.linear.gather [hbm4b:s5+s4], $0x2800, $0x38;
	[tilespmem:$0x1D000] =	vst v63  }
0x12: {  	_ =	swait.ge [sflag:s13], $0x2800  }
0x13: {  	[sflag:s13] =	ssyncset.done $0x0  }
0x14: {  	[sflag:s13] =	ssyncadd.s32 $0xFFFFD800  }
0x15: {  	[tilespmem:s14], [sflag:$0x2] =	stream.linear.gather [hbm4b:s7+s4], $0x2800, $0x38;
	[tilespmem:$0x1D000] =	vst v63  }
0x16: {  	_ =	swait.ge [sflag:s13], $0x2800  }
0x17: {  	[sflag:s13] =	ssyncset.done $0x0  }
0x18: {  	s22 =	simm.s32 $0x0;
	s23 =	simm.s32 $0x200;
	[sflag:s13] =	ssyncadd.s32 $0xFFFFD800  }
.LBB2_2:
0x19: {  	p0 =	sne.s32 s23, $0xFE00;
	[tilespmem:s22+$0x5070] =	vst v0  }
0x1a: {  	[tilespmem:s22+$0x5000] =	vst v0  }
0x1b: {  	[tilespmem:s22+$0x5010] =	vst v0  }
.Ltmp0:
0x1c: {  	[tilespmem:s22+$0x5020] =	vst v0;
	(pc) =	sbr.rel @p0 .LBB2_2-.Ltmp0, $4  }
0x1d: {  	[tilespmem:s22+$0x5030] =	vst v0  }
0x1e: {  	[tilespmem:s22+$0x5040] =	vst v0  }
0x1f: {  	[tilespmem:s22+$0x5050] =	vst v0  }
0x20: {  	[tilespmem:s22+$0x5060] =	vst v0;
	s22 =	sshra.s32 s23, $0x2;
	s23 =	sadd.s32 $0x200, s23  }
0x21: {  	[tilespmem:s22+$0x5070] =	vst v0  }
0x22: {  	[tilespmem:s22+$0x5000] =	vst v0  }
0x23: {  	[tilespmem:s22+$0x5010] =	vst v0  }
0x24: {  	[tilespmem:s22+$0x5020] =	vst v0  }
0x25: {  	[tilespmem:s22+$0x5030] =	vst v0  }
0x26: {  	[tilespmem:s22+$0x5040] =	vst v0  }
0x27: {  	[tilespmem:s22+$0x5050] =	vst v0  }
0x28: {  	[tilespmem:s22+$0x5060] =	vst v0  }
0x29: {  	[spmem:s6] =	stream.linear.scatter [tilespmem:s15], [sflag:$0x2], $0x4000, $0x38;
	[tilespmem:$0x1D000] =	vst v63  }
0x2a: {  	_ =	swait.ge [sflag:s13], $0x4000  }
0x2b: {  	[sflag:s13] =	ssyncset.done $0x0  }
0x2c: {  	[sflag:s13] =	ssyncadd.s32 $0xFFFFC000  }
0x2d: {  	[spmem:s8] =	stream.linear.scatter [tilespmem:s15], [sflag:$0x2], $0x4000, $0x38;
	[tilespmem:$0x1D000] =	vst v63  }
0x2e: {  	_ =	swait.ge [sflag:s13], $0x4000  }
0x2f: {  	[sflag:s13] =	ssyncset.done $0x0  }
0x30: {  	[sflag:s13] =	ssyncadd.s32 $0xFFFFC000  }
0x31: {  	[spmem:s9] =	stream.linear.scatter [tilespmem:s15], [sflag:$0x2], $0x4000, $0x38;
	[tilespmem:$0x1D000] =	vst v63  }
0x32: {  	_ =	swait.ge [sflag:s13], $0x4000  }
0x33: {  	[sflag:s13] =	ssyncset.done $0x0  }
0x34: {  	[sflag:s13] =	ssyncadd.s32 $0xFFFFC000  }
0x35: {  	[spmem:s10] =	stream.linear.scatter [tilespmem:s15], [sflag:$0x2], $0x4000, $0x38;
	[tilespmem:$0x1D000] =	vst v63  }
0x36: {  	_ =	swait.ge [sflag:s13], $0x4000  }
0x37: {  	[sflag:s13] =	ssyncset.done $0x0  }
0x38: {  	[sflag:s13] =	ssyncadd.s32 $0xFFFFC000  }
0x39: {  	[spmem:s11] =	stream.linear.scatter [tilespmem:s15], [sflag:$0x2], $0x4000, $0x38;
	[tilespmem:$0x1D000] =	vst v63  }
0x3a: {  	_ =	swait.ge [sflag:s13], $0x4000  }
0x3b: {  	[sflag:s13] =	ssyncset.done $0x0  }
0x3c: {  	[sflag:s13] =	ssyncadd.s32 $0xFFFFC000  }
0x3d: {  	s30 =	simm.s32 $0x0;
	[bflag:$0x0] =	sbarrier.arrive $0xFFFF  }
0x3e: {  	[tilespmem:s15], [sflag:$0x1] =	stream.indirect.gather [hbm4b:s1+s16], $0x80, s30, s16, $0xb8;
	[tilespmem:$0x1D000] =	vst v63  }
0x3f: {  	_ =	swait.ge [sflag:s17], $0x4000  }
0x40: {  	[sflag:s17] =	ssyncset.done $0x0  }
0x41: {  	s31 =	simm.s32 $0x2800;
	[sflag:s17] =	ssyncadd.s32 $0xFFFFC000  }
0x42: {  	[spmem:s3] =	stream.indirect.scatter.add.f32 [tilespmem:s15], [sflag:$0x2], $0x80, s31, s16, $0xb8;
	[tilespmem:$0x1D000] =	vst v63  }
0x43: {  	_ =	swait.ge [sflag:s13], $0x4000  }
0x44: {  	s22 =	simm.s32 $0x200;
	s23 =	simm.s32 $0x400;
	[sflag:s13] =	ssyncset.done $0x0  }
.LBB2_4:
0x45: {  	s24 =	sshra.s32 s22, $0x2  }
0x46: {  	[sflag:s13] =	ssyncadd.s32 $0xFFFFC000;
	s22 =	smov.u32 s23;
	s25 =	sadd.s32 $0x200, s23  }
0x47: {  	[tilespmem:s15], [sflag:$0x1] =	stream.indirect.gather [hbm4b:s1+s16], $0x80, s24, s16, $0xb8;
	[tilespmem:$0x1D000] =	vst v63  }
0x48: {  	p0 =	sne.s32 s23, $0x9E00;
	_ =	swait.ge [sflag:s17], $0x4000  }
.Ltmp1:
0x49: {  	[sflag:s17] =	ssyncset.done $0x0;
	(pc) =	sbr.rel @p0 .LBB2_4-.Ltmp1, $4  }
0x4a: {  	s23 =	sadd.s32 $0x2800, s24;
	[sflag:s17] =	ssyncadd.s32 $0xFFFFC000  }
0x4b: {  	[spmem:s3] =	stream.indirect.scatter.add.f32 [tilespmem:s15], [sflag:$0x2], $0x80, s23, s16, $0xb8;
	[tilespmem:$0x1D000] =	vst v63  }
0x4c: {  	_ =	swait.ge [sflag:s13], $0x4000  }
0x4d: {  	s23 =	smov.u32 s25;
	[sflag:s13] =	ssyncset.done $0x0  }
0x4e: {  	s22 =	sshra.s32 s22, $0x2;
	[sflag:s13] =	ssyncadd.s32 $0xFFFFC000  }
0x4f: {  	[tilespmem:s15], [sflag:$0x1] =	stream.indirect.gather [hbm4b:s1+s16], $0x80, s22, s16, $0xb8;
	[tilespmem:$0x1D000] =	vst v63  }
0x50: {  	_ =	swait.ge [sflag:s17], $0x4000  }
0x51: {  	[sflag:s17] =	ssyncset.done $0x0  }
0x52: {  	s22 =	sadd.s32 $0x2800, s22;
	[sflag:s17] =	ssyncadd.s32 $0xFFFFC000  }
0x53: {  	[spmem:s3] =	stream.indirect.scatter.add.f32 [tilespmem:s15], [sflag:$0x2], $0x80, s22, s16, $0xb8;
	[tilespmem:$0x1D000] =	vst v63  }
0x54: {  	_ =	swait.ge [sflag:s13], $0x4000  }
0x55: {  	s21 =	sadd.s32 $0x1, s21;
	[sflag:s13] =	ssyncset.done $0x0  }
0x56: {  	p0 =	sne.s32 s21, s12;
	[sflag:s13] =	ssyncadd.s32 $0xFFFFC000  }
.Ltmp2:
0x57: {  	[bflag:$0x0] =	sbarrier.arrive $0xFFFF;
	(pc) =	sbr.rel @p0 .LBB2_1-.Ltmp2, $4  }
0x58: {  	[hbm:s18], [sflag:s19] =	dma.local [spmem:s20], $0x2800  }
0x59: {  	_ =	swait.ge [sflag:s13], $0x2800  }
0x5a: {  	[sflag:s13] =	ssyncset.done $0x0  }
0x5b: {  	[sflag:s13] =	ssyncadd.s32 $0xFFFFD800  }
0x5c: {  	_ =	sfence.sel $0x180000  }
0x5d: {  	[bflag:$0x0] =	sbarrier.arrive $0xFFFF  }
0x5e: {  	p0 =	sne.s32 s0, $0x0;
	_ =	strace $0x9000004A  }
0x5f: {  	s0 =	sadd.s32 @!p0 $0x100000, s2;
	[bflag:$0x2] =	sbarrier.arrive $0xFFFF  }
0x60: {  	[sflag:s0] =	ssyncadd.tile.s32 @!p0 $0x1;
	_ =	shalt  }
.Lfunc_end2:
_tile_overlayer_lowered:
.L_overlay_start_2:
0x61: {  	(tag) =	ssettag $0x2  }
0x62: {  	s0 =	rddreg [dreg:$0x0];
	s2 =	stileid.u32  }
0x63: {  	s1 =	rddreg [dreg:$0x1];
	p0 =	sne.s32 s2, $0x0  }
0x64: {  	s3 =	rddreg [dreg:$0x2];
	[bflag:$0x3] =	sbarrier.arrive $0xFFFF;
	s2 =	simm.s32 @!p0 $0x1C02  }
0x65: {  	[timem:s3], [sflag:s2] =	dma.local @!p0 [hbm:s0], s1  }
0x66: {  	s0 =	simm.s32 @!p0 $0x2  }
0x67: {  	_ =	swait.ge @!p0 [sflag:s0], s1  }
0x68: {  	s1 =	ssub.s32 @!p0 $0x0, s1;
	[sflag:s0] =	ssyncset.done @!p0 $0x0  }
0x69: {  	[sflag:s0] =	ssyncadd.s32 @!p0 s1  }
0x6a: {  	[bflag:$0x3] =	sbarrier.arrive $0xFFFF  }
0x6b: {  	_ =	shalt  }

// kernel: kernel.14.cloned.1.call-start
scs
__scs_entry_jumppad:
0x0: {  	(pc) =	sbr.rel $0x88, $3  }
0x1: {  	(tag) =	ssettag $0x0;
	lr =	simm.s32 $0x1  }
0x2: {  	[smem:$0x3F98] =	sst lr;
	_ =	strace $0xD0000000  }
0x3: {  	_ = 	snop  }
0x4: {  	_ = 	snop  }
0x5: {  	_ = 	snop  }
0x6: {  	_ = 	snop  }
0x7: {  	_ = 	snop  }
__scs_overlays_trampoline_lowered:
0x8: {  	[smem:$0x3FA7] =	sst s0  }
0x9: {  	[smem:$0x3FA8] =	sst s1  }
0xa: {  	[smem:$0x3FA9] =	sst s2  }
0xb: {  	[smem:$0x3FAA] =	sst s3  }
0xc: {  	[smem:$0x3FAB] =	sst s4  }
0xd: {  	[smem:$0x3FAC] =	sst s5  }
0xe: {  	[smem:$0x3FAD] =	sst s6  }
0xf: {  	[smem:$0x3FAE] =	sst s7  }
0x10: {  	[smem:$0x3FAF] =	sst s8  }
0x11: {  	[smem:$0x3FB0] =	sst s9;
	s0 =	simm.s32 @!p0 $0x0  }
0x12: {  	s1 =	sld [smem:$0x3F96];
	s0 =	simm.s32 @p0 $0x1  }
0x13: {  	[smem:$0x3FB1] =	sst s0;
	s0 =	simm.s32 @!p1 $0x0  }
0x14: {  	s2 =	sld [smem:$0x3F95];
	s0 =	simm.s32 @p1 $0x1  }
0x15: {  	[smem:$0x3FB2] =	sst s0;
	s0 =	simm.s32 @!p2 $0x0  }
0x16: {  	s3 =	sld [smem:$0x3FDB];
	s0 =	simm.s32 @p2 $0x1  }
0x17: {  	s4 =	simm.s32 $0x1BF5;
	[smem:$0x3FB4] =	sst s0  }
0x18: {  	s0 =	sld [smem:$0x3F97];
	_ =	swait.ge [sflag:s4], $0x0  }
0x19: {  	s7 =	sld [smem:$0x3F98]  }
0x1a: {  	s8 =	sadd.s32 $0xFFFFE003, lr  }
0x1b: {  	s9 =	sadd.s32 $0xFFFFFEF7, lr;
	s5 =	simm.s32 $0xFFFFFFFF;
	p2 =	slt.u32 s8, $0xFFFFF086  }
0x1c: {  	p1 =	slt.u32 s9, $0xF7A;
	s5 =	simm.s32 @!p2 $0x0  }
0x1d: {  	s5 =	simm.s32 @p1 $0x1;
	p0 =	seq.s32 s7, s2  }
0x1e: {  	s7 =	smul.u32 @!p0 $0xF7A, s2;
	p2 =	seq.s32 @!p0 s5, $0x0  }
0x1f: {  	s9 =	smul.u32 $0xF7A, s1;
	s8 =	simm.s32 @!p0 $0x1BF5;
	p2 =	por !p2, p0  }
0x20: {  	[sflag:s8] =	ssyncset.s32 @!p0 $0xFFFFF086;
	s6 =	sadd.s32 @!p0 s3, s7;
	s7 =	simm.s32 @!p0 $0x108  }
0x21: {  	s3 =	sadd.s32 s3, s9;
	s6 =	sadd.s32 @!p0 $0x88, s6;
	s7 =	simm.s32 @p2 $0x1082  }
0x22: {  	[simem:s7], [sflag:s8] =	dma.local @!p0 [hbm:s6], $0xF7A  }
0x23: {  	s9 =	sor.u32 $0xD0000000, s2;
	s6 =	simm.s32 $0x108;
	_ =	swait.ge @!p0 [sflag:s8], $0x0  }
0x24: {  	s3 =	sadd.s32 $0x88, s3;
	s6 =	simm.s32 @!p1 $0x1082;
	[sflag:s4] =	ssyncset.s32 $0xFFFFF086  }
0x25: {  	[simem:s6], [sflag:s4] =	dma.local [hbm:s3], $0xF7A  }
0x26: {  	[smem:$0x3F98] =	sst s1;
	(tag) =	ssettag s2;
	_ =	strace s9  }
0x27: {  	s1 =	sld [smem:$0x3FA8]  }
0x28: {  	s2 =	sld [smem:$0x3FA9]  }
0x29: {  	s4 =	sld [smem:$0x3FAB]  }
0x2a: {  	p0 =	seq.s32 s5, $0x0;
	s5 =	sld [smem:$0x3FAC]  }
0x2b: {  	s6 =	sld [smem:$0x3FAD]  }
0x2c: {  	s7 =	sld [smem:$0x3FAE]  }
0x2d: {  	s3 =	simm.s32 $0x108;
	s8 =	sld [smem:$0x3FAF]  }
0x2e: {  	s3 =	simm.s32 @!p0 $0x1082;
	s9 =	sld [smem:$0x3FB0]  }
0x2f: {  	lr =	sadd.s32 s0, s3;
	s0 =	sld [smem:$0x3FA7]  }
0x30: {  	s3 =	sld [smem:$0x3FAA]  }
0x31: {  	[smem:$0x3FB3] =	sst s10  }
0x32: {  	s10 =	sld [smem:$0x3FB1];
	_ =	sdelay $0x3  }
0x33: {  	p0 =	seq.s32 s10, $0x1;
	s10 =	sld [smem:$0x3FB3];
	_ =	sdelay $0x3  }
0x34: {  	[smem:$0x3FB3] =	sst s10  }
0x35: {  	s10 =	sld [smem:$0x3FB2];
	_ =	sdelay $0x3  }
0x36: {  	p1 =	seq.s32 s10, $0x1;
	s10 =	sld [smem:$0x3FB3];
	_ =	sdelay $0x3  }
0x37: {  	[smem:$0x3FB3] =	sst s10  }
0x38: {  	s10 =	sld [smem:$0x3FB4]  }
0x39: {  	_ = 	snop;
	(pc) =	sbr.ind lr, $3  }
0x3a: {  	_ = 	snop  }
0x3b: {  	_ = 	snop  }
0x3c: {  	p2 =	seq.s32 s10, $0x1;
	s10 =	sld [smem:$0x3FB3]  }
0x3d: {  	_ =	shalt  }
0x3e: {  	_ =	shalt  }
0x3f: {  	_ =	shalt  }
0x40: {  	_ =	shalt  }
0x41: {  	_ =	shalt  }
0x42: {  	_ =	shalt  }
0x43: {  	_ =	shalt  }
0x44: {  	_ =	shalt  }
0x45: {  	_ =	shalt  }
0x46: {  	_ =	shalt  }
0x47: {  	_ =	shalt  }
0x48: {  	_ =	shalt  }
0x49: {  	_ =	shalt  }
0x4a: {  	_ =	shalt  }
0x4b: {  	_ =	shalt  }
0x4c: {  	_ =	shalt  }
0x4d: {  	_ =	shalt  }
0x4e: {  	_ =	shalt  }
0x4f: {  	_ =	shalt  }
0x50: {  	_ =	shalt  }
0x51: {  	_ =	shalt  }
0x52: {  	_ =	shalt  }
0x53: {  	_ =	shalt  }
0x54: {  	_ =	shalt  }
0x55: {  	_ =	shalt  }
0x56: {  	_ =	shalt  }
0x57: {  	_ =	shalt  }
0x58: {  	_ =	shalt  }
0x59: {  	_ =	shalt  }
0x5a: {  	_ =	shalt  }
0x5b: {  	_ =	shalt  }
0x5c: {  	_ =	shalt  }
0x5d: {  	_ =	shalt  }
0x5e: {  	_ =	shalt  }
0x5f: {  	_ =	shalt  }
0x60: {  	_ =	shalt  }
0x61: {  	_ =	shalt  }
0x62: {  	_ =	shalt  }
0x63: {  	_ =	shalt  }
0x64: {  	_ =	shalt  }
0x65: {  	_ =	shalt  }
0x66: {  	_ =	shalt  }
0x67: {  	_ =	shalt  }
0x68: {  	_ =	shalt  }
0x69: {  	_ =	shalt  }
0x6a: {  	_ =	shalt  }
0x6b: {  	_ =	shalt  }
0x6c: {  	_ =	shalt  }
0x6d: {  	_ =	shalt  }
0x6e: {  	_ =	shalt  }
0x6f: {  	_ =	shalt  }
0x70: {  	_ =	shalt  }
0x71: {  	_ =	shalt  }
0x72: {  	_ =	shalt  }
0x73: {  	_ =	shalt  }
0x74: {  	_ =	shalt  }
0x75: {  	_ =	shalt  }
0x76: {  	_ =	shalt  }
0x77: {  	_ =	shalt  }
0x78: {  	_ =	shalt  }
0x79: {  	_ =	shalt  }
0x7a: {  	_ =	shalt  }
0x7b: {  	_ =	shalt  }
0x7c: {  	_ =	shalt  }
0x7d: {  	_ =	shalt  }
0x7e: {  	_ =	shalt  }
0x7f: {  	_ =	shalt  }
0x80: {  	_ =	shalt  }
0x81: {  	_ =	shalt  }
0x82: {  	_ =	shalt  }
0x83: {  	_ =	shalt  }
0x84: {  	_ =	shalt  }
0x85: {  	_ =	shalt  }
0x86: {  	_ =	shalt  }
0x87: {  	_ =	shalt  }
.Lfunc_end0:
.L_simem_size_0:
called_computation.2_lowered:
.L_overlay_start_0:
0x88: {  	s2 =	sld [smem:$0x3FD9]  }
0x89: {  	s3 =	sld [smem:$0x3FFE];
	_ =	sdelay $0x1  }
0x8a: {  	s1 =	srdreg.scid  }
0x8b: {  	s0 =	sand.u32 $0x1, s1  }
0x8c: {  	s14 =	sshll.u32 s0, $0xA;
	s2 =	sadd.s32 s3, s2  }
0x8d: {  	s2 =	sadd.s32 s2, s14  }
0x8e: {  	[smem:$0x3FBF] =	sst s2  }
0x8f: {  	_ = 	snop  }
0x90: {  	s2 =	sld [smem:$0x3FD0];
	_ =	sdelay $0x2  }
0x91: {  	s15 =	simm.s32 $0xB;
	s4 =	simm.s32 $0x10  }
0x92: {  	[smem:s4], [sflag:s15] =	dma.local [hbm:s2], $0x1  }
0x93: {  	_ =	swait.eq [sflag:s15], $0x1  }
0x94: {  	[sflag:s15] =	ssyncset.done $0x0  }
0x95: {  	s16 =	sld [smem:$0x12];
	[sflag:s15] =	ssyncadd.s32 $0xFFFFFFFF  }
0x96: {  	s17 =	sld [smem:$0x13];
	(tm) =	ssettm $0x1  }
0x97: {  	s18 =	sld [smem:$0x3FFB];
	_ =	sdelay $0x3  }
0x98: {  	_ =	strace s18  }
0x99: {  	s4 =	sld [smem:$0x3FFC];
	_ =	sdelay $0x3  }
0x9a: {  	_ =	strace s4  }
0x9b: {  	s4 =	sld [smem:$0x3FFD];
	_ =	sdelay $0x3  }
0x9c: {  	_ =	strace s4  }
0x9d: {  	_ =	strace $0x8FFFFFFF  }
0x9e: {  	s19 =	sld [smem:$0x3FDB];
	_ =	sdelay $0x1  }
0x9f: {  	s5 =	simm.s32 $_scs_section_size  }
0xa0: {  	s6 =	simm.s32 $_size__tile_overlayer_lowered;
	s7 =	simm.s32 $_tile_overlayer_lowered  }
0xa1: {  	s22 =	simm.s32 $0x1BFF;
	s21 =	sshll.u32 s7, $0x1;
	s4 =	sadd.s32 s5, s19  }
0xa2: {  	s8 =	simm.s32 $0x0;
	s20 =	sshll.u32 s6, $0x1;
	s6 =	sadd.s32 s21, s4  }
0xa3: {  	[timem:s8], [sflag:s22] =	dma.local [hbm:s6], s20  }
0xa4: {  	_ =	swait.ge [sflag:s22], s20  }
0xa5: {  	s5 =	ssub.s32 $0x0, s20;
	[sflag:s22] =	ssyncset.done $0x0  }
0xa6: {  	[sflag:s22] =	ssyncadd.s32 s5;
	_ =	sdelay $0x1  }
0xa7: {  	s23 =	simm.s32 $0x1B8B  }
0xa8: {  	_ =	swait.ge [sflag:s23], $0x1  }
0xa9: {  	[sflag:s23] =	ssyncset.done $0x0  }
0xaa: {  	s25 =	simm.s32 $0x1B8E;
	s24 =	sld [smem:$0x3FFE];
	[sflag:s23] =	ssyncadd.s32 $0xFFFFFFFF  }
0xab: {  	s26 =	simm.s32 $execute0_lowered;
	[smem:$0x3FD2] =	sst s25  }
0xac: {  	s6 =	sshll.u32 s26, $0x1;
	_ =	strace $0x8000004C;
	[dreg:$0x1] =	wrdreg $0xFFFFFFFF  }
0xad: {  	s28 =	simm.s32 $_size_execute0_lowered;
	s4 =	sadd.s32 s4, s6;
	[dreg:$0x0] =	wrdreg $0x0  }
0xae: {  	s6 =	sshll.u32 s28, $0x1;
	[dreg:$0x2] =	wrdreg s4  }
0xaf: {  	[dreg:$0x3] =	wrdreg s6  }
0xb0: {  	[dreg:$0x4] =	wrdreg $0xC0  }
0xb1: {  	_ =	task [dreg:s8], $0x5FFFF  }
0xb2: {  	[dreg:$0x1] =	wrdreg $0xFFFFFFFF  }
0xb3: {  	[dreg:$0x0] =	wrdreg $0x60  }
0xb4: {  	[dreg:$0x2] =	wrdreg s16  }
0xb5: {  	[dreg:$0x3] =	wrdreg s17  }
0xb6: {  	[dreg:$0x4] =	wrdreg s24  }
0xb7: {  	[dreg:$0x5] =	wrdreg $0x90000  }
0xb8: {  	[dreg:$0x6] =	wrdreg $0x9  }
0xb9: {  	_ =	task.clear_ibuf [dreg:s8], $0x7FFFF;
	_ =	strace $0x9000004C  }
0xba: {  	s29 =	simm.s32 $0x9;
	_ =	strace $0x8000004E  }
0xbb: {  	_ =	swait.ge [sflag:s29], $0x1  }
0xbc: {  	[sflag:s29] =	ssyncadd.s32 $0xFFFFFFFF  }
0xbd: {  	_ =	strace $0x9000004E  }
0xbe: {  	_ =	sfence  }
0xbf: {  	s30 =	sld [smem:$0x0];
	_ =	sdelay $0x2  }
0xc0: {  	s31 =	sshll.u32 s1, $0xD;
	s1 =	sshrl.u32 s1, $0x2  }
0xc1: {  	s3 =	sand.u32 $0x4000, s31;
	s1 =	sadd.s32 s1, s30  }
0xc2: {  	s0 =	sor.u32 s3, s0;
	s1 =	sshll.u32 s1, $0x11  }
0xc3: {  	s0 =	sor.u32 s1, s0  }
0xc4: {  	s0 =	sadd.s32 $0x8F2B, s0  }
0xc5: {  	[sflag:s0] =	ssyncadd.remote.s32 $0x1  }
0xc6: {  	_ =	sfence.sel $0xFFFF  }
0xc7: {  	[dreg:$0x0] =	wrdreg $0xFFFFFFFF;
	(pc) =	sbr.abs _section_cstart, $3  }
0xc8: {  	[dreg:$0x1] =	wrdreg $0xFFFFFFFF  }
0xc9: {  	_ =	task.clear_ibuf [dreg:s8], $0x2FFFF;
	_ =	strace $0x9FFFFFFF  }
0xca: {  	(tm) =	ssettm $0x7FFFFFFF  }
0xcb: {  	_ =	shalt  }
tec
execute0_lowered:
.L_overlay_start_1:
0x0: {  	(tag) =	ssettag $0x1  }
0x1: {  	s1 =	rddreg [dreg:$0x0]  }
0x2: {  	s6 =	rddreg [dreg:$0x1]  }
0x3: {  	s7 =	rddreg [dreg:$0x2]  }
0x4: {  	s0 =	srdreg.scid;
	s3 =	rddreg [dreg:$0x3];
	s4 =	simm.s32 $0x0  }
0x5: {  	s14 =	simm.s32 $0x2800;
	s15 =	simm.s32 $0x5000;
	s16 =	simm.s32 $0x80  }
0x6: {  	s17 =	simm.s32 $0x1;
	s5 =	sand.u32 $0x1, s0;
	s0 =	stileid.u32  }
0x7: {  	s21 =	simm.s32 $0x0;
	[smem:$0x7FF] =	sst s4;
	s9 =	smul.u32 $0x28000, s5  }
0x8: {  	s2 =	sshll.u32 s5, $0x4;
	s10 =	smul.u32 $0x50000, s0;
	s5 =	ssub.s32 $0x2, s5  }
0x9: {  	s19 =	smul.u32 $0x2800, s0;
	s31 =	sshll.u32 s0, $0x6;
	s2 =	sor.u32 s0, s2  }
0xa: {  	s29 =	sshrl.u32 s5, $0x1;
	s8 =	smul.u32 $0x500, s2;
	s2 =	rddreg [dreg:$0x4]  }
0xb: {  	_ =	strace $0x8000004D;
	s12 =	sadd.s32 s9, s7;
	s13 =	ssub.s32 s5, s29  }
0xc: {  	s30 =	sshrl.u32 s10, $0x2;
	s18 =	sadd.s32 $0x35400, s12;
	s12 =	smax.u32 s13, $0x1  }
0xd: {  	s13 =	simm.s32 $0x2;
	s11 =	sadd.s32 s8, s7;
	s5 =	sadd.s32 s6, s8  }
0xe: {  	s6 =	sadd.s32 s30, s3;
	s18 =	sadd.s32 s19, s18;
	s19 =	sor.u32 $0x1C02, s31  }
0xf: {  	s7 =	sadd.s32 $0x3400, s11;
	s8 =	sadd.s32 $0x4000, s6;
	s9 =	sadd.s32 $0x8000, s6  }
0x10: {  	v0 =	vimm.f32 $0.0e+00;
	s10 =	sadd.s32 $0xC000, s6;
	s11 =	sadd.s32 $0x10000, s6;
	s20 =	sshrl.u32 s6, $0x3  }
.LBB2_1:
0x11: {  	[tilespmem:s4], [sflag:$0x2] =	stream.linear.gather [hbm4b:s5+s4], $0x2800, $0x38;
	[tilespmem:$0x1D000] =	vst v63  }
0x12: {  	_ =	swait.ge [sflag:s13], $0x2800  }
0x13: {  	[sflag:s13] =	ssyncset.done $0x0  }
0x14: {  	[sflag:s13] =	ssyncadd.s32 $0xFFFFD800  }
0x15: {  	[tilespmem:s14], [sflag:$0x2] =	stream.linear.gather [hbm4b:s7+s4], $0x2800, $0x38;
	[tilespmem:$0x1D000] =	vst v63  }
0x16: {  	_ =	swait.ge [sflag:s13], $0x2800  }
0x17: {  	[sflag:s13] =	ssyncset.done $0x0  }
0x18: {  	s22 =	simm.s32 $0x0;
	s23 =	simm.s32 $0x200;
	[sflag:s13] =	ssyncadd.s32 $0xFFFFD800  }
.LBB2_2:
0x19: {  	p0 =	sne.s32 s23, $0xFE00;
	[tilespmem:s22+$0x5070] =	vst v0  }
0x1a: {  	[tilespmem:s22+$0x5000] =	vst v0  }
0x1b: {  	[tilespmem:s22+$0x5010] =	vst v0  }
.Ltmp0:
0x1c: {  	[tilespmem:s22+$0x5020] =	vst v0;
	(pc) =	sbr.rel @p0 .LBB2_2-.Ltmp0, $4  }
0x1d: {  	[tilespmem:s22+$0x5030] =	vst v0  }
0x1e: {  	[tilespmem:s22+$0x5040] =	vst v0  }
0x1f: {  	[tilespmem:s22+$0x5050] =	vst v0  }
0x20: {  	[tilespmem:s22+$0x5060] =	vst v0;
	s22 =	sshra.s32 s23, $0x2;
	s23 =	sadd.s32 $0x200, s23  }
0x21: {  	[tilespmem:s22+$0x5070] =	vst v0  }
0x22: {  	[tilespmem:s22+$0x5000] =	vst v0  }
0x23: {  	[tilespmem:s22+$0x5010] =	vst v0  }
0x24: {  	[tilespmem:s22+$0x5020] =	vst v0  }
0x25: {  	[tilespmem:s22+$0x5030] =	vst v0  }
0x26: {  	[tilespmem:s22+$0x5040] =	vst v0  }
0x27: {  	[tilespmem:s22+$0x5050] =	vst v0  }
0x28: {  	[tilespmem:s22+$0x5060] =	vst v0  }
0x29: {  	[spmem:s6] =	stream.linear.scatter [tilespmem:s15], [sflag:$0x2], $0x4000, $0x38;
	[tilespmem:$0x1D000] =	vst v63  }
0x2a: {  	_ =	swait.ge [sflag:s13], $0x4000  }
0x2b: {  	[sflag:s13] =	ssyncset.done $0x0  }
0x2c: {  	[sflag:s13] =	ssyncadd.s32 $0xFFFFC000  }
0x2d: {  	[spmem:s8] =	stream.linear.scatter [tilespmem:s15], [sflag:$0x2], $0x4000, $0x38;
	[tilespmem:$0x1D000] =	vst v63  }
0x2e: {  	_ =	swait.ge [sflag:s13], $0x4000  }
0x2f: {  	[sflag:s13] =	ssyncset.done $0x0  }
0x30: {  	[sflag:s13] =	ssyncadd.s32 $0xFFFFC000  }
0x31: {  	[spmem:s9] =	stream.linear.scatter [tilespmem:s15], [sflag:$0x2], $0x4000, $0x38;
	[tilespmem:$0x1D000] =	vst v63  }
0x32: {  	_ =	swait.ge [sflag:s13], $0x4000  }
0x33: {  	[sflag:s13] =	ssyncset.done $0x0  }
0x34: {  	[sflag:s13] =	ssyncadd.s32 $0xFFFFC000  }
0x35: {  	[spmem:s10] =	stream.linear.scatter [tilespmem:s15], [sflag:$0x2], $0x4000, $0x38;
	[tilespmem:$0x1D000] =	vst v63  }
0x36: {  	_ =	swait.ge [sflag:s13], $0x4000  }
0x37: {  	[sflag:s13] =	ssyncset.done $0x0  }
0x38: {  	[sflag:s13] =	ssyncadd.s32 $0xFFFFC000  }
0x39: {  	[spmem:s11] =	stream.linear.scatter [tilespmem:s15], [sflag:$0x2], $0x4000, $0x38;
	[tilespmem:$0x1D000] =	vst v63  }
0x3a: {  	_ =	swait.ge [sflag:s13], $0x4000  }
0x3b: {  	[sflag:s13] =	ssyncset.done $0x0  }
0x3c: {  	[sflag:s13] =	ssyncadd.s32 $0xFFFFC000  }
0x3d: {  	s30 =	simm.s32 $0x0;
	[bflag:$0x0] =	sbarrier.arrive $0xFFFF  }
0x3e: {  	[tilespmem:s15], [sflag:$0x1] =	stream.indirect.gather [hbm4b:s1+s16], $0x80, s30, s16, $0xb8;
	[tilespmem:$0x1D000] =	vst v63  }
0x3f: {  	_ =	swait.ge [sflag:s17], $0x4000  }
0x40: {  	[sflag:s17] =	ssyncset.done $0x0  }
0x41: {  	s31 =	simm.s32 $0x2800;
	[sflag:s17] =	ssyncadd.s32 $0xFFFFC000  }
0x42: {  	[spmem:s3] =	stream.indirect.scatter.add.f32 [tilespmem:s15], [sflag:$0x2], $0x80, s31, s16, $0xb8;
	[tilespmem:$0x1D000] =	vst v63  }
0x43: {  	_ =	swait.ge [sflag:s13], $0x4000  }
0x44: {  	s22 =	simm.s32 $0x200;
	s23 =	simm.s32 $0x400;
	[sflag:s13] =	ssyncset.done $0x0  }
.LBB2_4:
0x45: {  	s24 =	sshra.s32 s22, $0x2  }
0x46: {  	[sflag:s13] =	ssyncadd.s32 $0xFFFFC000;
	s22 =	smov.u32 s23;
	s25 =	sadd.s32 $0x200, s23  }
0x47: {  	[tilespmem:s15], [sflag:$0x1] =	stream.indirect.gather [hbm4b:s1+s16], $0x80, s24, s16, $0xb8;
	[tilespmem:$0x1D000] =	vst v63  }
0x48: {  	p0 =	sne.s32 s23, $0x9E00;
	_ =	swait.ge [sflag:s17], $0x4000  }
.Ltmp1:
0x49: {  	[sflag:s17] =	ssyncset.done $0x0;
	(pc) =	sbr.rel @p0 .LBB2_4-.Ltmp1, $4  }
0x4a: {  	s23 =	sadd.s32 $0x2800, s24;
	[sflag:s17] =	ssyncadd.s32 $0xFFFFC000  }
0x4b: {  	[spmem:s3] =	stream.indirect.scatter.add.f32 [tilespmem:s15], [sflag:$0x2], $0x80, s23, s16, $0xb8;
	[tilespmem:$0x1D000] =	vst v63  }
0x4c: {  	_ =	swait.ge [sflag:s13], $0x4000  }
0x4d: {  	s23 =	smov.u32 s25;
	[sflag:s13] =	ssyncset.done $0x0  }
0x4e: {  	s22 =	sshra.s32 s22, $0x2;
	[sflag:s13] =	ssyncadd.s32 $0xFFFFC000  }
0x4f: {  	[tilespmem:s15], [sflag:$0x1] =	stream.indirect.gather [hbm4b:s1+s16], $0x80, s22, s16, $0xb8;
	[tilespmem:$0x1D000] =	vst v63  }
0x50: {  	_ =	swait.ge [sflag:s17], $0x4000  }
0x51: {  	[sflag:s17] =	ssyncset.done $0x0  }
0x52: {  	s22 =	sadd.s32 $0x2800, s22;
	[sflag:s17] =	ssyncadd.s32 $0xFFFFC000  }
0x53: {  	[spmem:s3] =	stream.indirect.scatter.add.f32 [tilespmem:s15], [sflag:$0x2], $0x80, s22, s16, $0xb8;
	[tilespmem:$0x1D000] =	vst v63  }
0x54: {  	_ =	swait.ge [sflag:s13], $0x4000  }
0x55: {  	s21 =	sadd.s32 $0x1, s21;
	[sflag:s13] =	ssyncset.done $0x0  }
0x56: {  	p0 =	sne.s32 s21, s12;
	[sflag:s13] =	ssyncadd.s32 $0xFFFFC000  }
.Ltmp2:
0x57: {  	[bflag:$0x0] =	sbarrier.arrive $0xFFFF;
	(pc) =	sbr.rel @p0 .LBB2_1-.Ltmp2, $4  }
0x58: {  	[hbm:s18], [sflag:s19] =	dma.local [spmem:s20], $0x2800  }
0x59: {  	_ =	swait.ge [sflag:s13], $0x2800  }
0x5a: {  	[sflag:s13] =	ssyncset.done $0x0  }
0x5b: {  	[sflag:s13] =	ssyncadd.s32 $0xFFFFD800  }
0x5c: {  	_ =	sfence.sel $0x180000  }
0x5d: {  	[bflag:$0x0] =	sbarrier.arrive $0xFFFF  }
0x5e: {  	p0 =	sne.s32 s0, $0x0;
	_ =	strace $0x9000004D  }
0x5f: {  	s0 =	sadd.s32 @!p0 $0x100000, s2;
	[bflag:$0x2] =	sbarrier.arrive $0xFFFF  }
0x60: {  	[sflag:s0] =	ssyncadd.tile.s32 @!p0 $0x1;
	_ =	shalt  }
.Lfunc_end2:
_tile_overlayer_lowered:
.L_overlay_start_2:
0x61: {  	(tag) =	ssettag $0x2  }
0x62: {  	s0 =	rddreg [dreg:$0x0];
	s2 =	stileid.u32  }
0x63: {  	s1 =	rddreg [dreg:$0x1];
	p0 =	sne.s32 s2, $0x0  }
0x64: {  	s3 =	rddreg [dreg:$0x2];
	[bflag:$0x3] =	sbarrier.arrive $0xFFFF;
	s2 =	simm.s32 @!p0 $0x1C02  }
0x65: {  	[timem:s3], [sflag:s2] =	dma.local @!p0 [hbm:s0], s1  }
0x66: {  	s0 =	simm.s32 @!p0 $0x2  }
0x67: {  	_ =	swait.ge @!p0 [sflag:s0], s1  }
0x68: {  	s1 =	ssub.s32 @!p0 $0x0, s1;
	[sflag:s0] =	ssyncset.done @!p0 $0x0  }
0x69: {  	[sflag:s0] =	ssyncadd.s32 @!p0 s1  }
0x6a: {  	[bflag:$0x3] =	sbarrier.arrive $0xFFFF  }
0x6b: {  	_ =	shalt  }

// kernel: kernel.8.cloned.1.call-start
scs
__scs_entry_jumppad:
0x0: {  	(pc) =	sbr.rel $0x88, $3  }
0x1: {  	(tag) =	ssettag $0x0;
	lr =	simm.s32 $0x1  }
0x2: {  	[smem:$0x3F98] =	sst lr;
	_ =	strace $0xD0000000  }
0x3: {  	_ = 	snop  }
0x4: {  	_ = 	snop  }
0x5: {  	_ = 	snop  }
0x6: {  	_ = 	snop  }
0x7: {  	_ = 	snop  }
__scs_overlays_trampoline_lowered:
0x8: {  	[smem:$0x3FA7] =	sst s0  }
0x9: {  	[smem:$0x3FA8] =	sst s1  }
0xa: {  	[smem:$0x3FA9] =	sst s2  }
0xb: {  	[smem:$0x3FAA] =	sst s3  }
0xc: {  	[smem:$0x3FAB] =	sst s4  }
0xd: {  	[smem:$0x3FAC] =	sst s5  }
0xe: {  	[smem:$0x3FAD] =	sst s6  }
0xf: {  	[smem:$0x3FAE] =	sst s7  }
0x10: {  	[smem:$0x3FAF] =	sst s8  }
0x11: {  	[smem:$0x3FB0] =	sst s9;
	s0 =	simm.s32 @!p0 $0x0  }
0x12: {  	s1 =	sld [smem:$0x3F96];
	s0 =	simm.s32 @p0 $0x1  }
0x13: {  	[smem:$0x3FB1] =	sst s0;
	s0 =	simm.s32 @!p1 $0x0  }
0x14: {  	s2 =	sld [smem:$0x3F95];
	s0 =	simm.s32 @p1 $0x1  }
0x15: {  	[smem:$0x3FB2] =	sst s0;
	s0 =	simm.s32 @!p2 $0x0  }
0x16: {  	s3 =	sld [smem:$0x3FDB];
	s0 =	simm.s32 @p2 $0x1  }
0x17: {  	s4 =	simm.s32 $0x1BF5;
	[smem:$0x3FB4] =	sst s0  }
0x18: {  	s0 =	sld [smem:$0x3F97];
	_ =	swait.ge [sflag:s4], $0x0  }
0x19: {  	s7 =	sld [smem:$0x3F98]  }
0x1a: {  	s8 =	sadd.s32 $0xFFFFE003, lr  }
0x1b: {  	s9 =	sadd.s32 $0xFFFFFEF7, lr;
	s5 =	simm.s32 $0xFFFFFFFF;
	p2 =	slt.u32 s8, $0xFFFFF086  }
0x1c: {  	p1 =	slt.u32 s9, $0xF7A;
	s5 =	simm.s32 @!p2 $0x0  }
0x1d: {  	s5 =	simm.s32 @p1 $0x1;
	p0 =	seq.s32 s7, s2  }
0x1e: {  	s7 =	smul.u32 @!p0 $0xF7A, s2;
	p2 =	seq.s32 @!p0 s5, $0x0  }
0x1f: {  	s9 =	smul.u32 $0xF7A, s1;
	s8 =	simm.s32 @!p0 $0x1BF5;
	p2 =	por !p2, p0  }
0x20: {  	[sflag:s8] =	ssyncset.s32 @!p0 $0xFFFFF086;
	s6 =	sadd.s32 @!p0 s3, s7;
	s7 =	simm.s32 @!p0 $0x108  }
0x21: {  	s3 =	sadd.s32 s3, s9;
	s6 =	sadd.s32 @!p0 $0x88, s6;
	s7 =	simm.s32 @p2 $0x1082  }
0x22: {  	[simem:s7], [sflag:s8] =	dma.local @!p0 [hbm:s6], $0xF7A  }
0x23: {  	s9 =	sor.u32 $0xD0000000, s2;
	s6 =	simm.s32 $0x108;
	_ =	swait.ge @!p0 [sflag:s8], $0x0  }
0x24: {  	s3 =	sadd.s32 $0x88, s3;
	s6 =	simm.s32 @!p1 $0x1082;
	[sflag:s4] =	ssyncset.s32 $0xFFFFF086  }
0x25: {  	[simem:s6], [sflag:s4] =	dma.local [hbm:s3], $0xF7A  }
0x26: {  	[smem:$0x3F98] =	sst s1;
	(tag) =	ssettag s2;
	_ =	strace s9  }
0x27: {  	s1 =	sld [smem:$0x3FA8]  }
0x28: {  	s2 =	sld [smem:$0x3FA9]  }
0x29: {  	s4 =	sld [smem:$0x3FAB]  }
0x2a: {  	p0 =	seq.s32 s5, $0x0;
	s5 =	sld [smem:$0x3FAC]  }
0x2b: {  	s6 =	sld [smem:$0x3FAD]  }
0x2c: {  	s7 =	sld [smem:$0x3FAE]  }
0x2d: {  	s3 =	simm.s32 $0x108;
	s8 =	sld [smem:$0x3FAF]  }
0x2e: {  	s3 =	simm.s32 @!p0 $0x1082;
	s9 =	sld [smem:$0x3FB0]  }
0x2f: {  	lr =	sadd.s32 s0, s3;
	s0 =	sld [smem:$0x3FA7]  }
0x30: {  	s3 =	sld [smem:$0x3FAA]  }
0x31: {  	[smem:$0x3FB3] =	sst s10  }
0x32: {  	s10 =	sld [smem:$0x3FB1];
	_ =	sdelay $0x3  }
0x33: {  	p0 =	seq.s32 s10, $0x1;
	s10 =	sld [smem:$0x3FB3];
	_ =	sdelay $0x3  }
0x34: {  	[smem:$0x3FB3] =	sst s10  }
0x35: {  	s10 =	sld [smem:$0x3FB2];
	_ =	sdelay $0x3  }
0x36: {  	p1 =	seq.s32 s10, $0x1;
	s10 =	sld [smem:$0x3FB3];
	_ =	sdelay $0x3  }
0x37: {  	[smem:$0x3FB3] =	sst s10  }
0x38: {  	s10 =	sld [smem:$0x3FB4]  }
0x39: {  	_ = 	snop;
	(pc) =	sbr.ind lr, $3  }
0x3a: {  	_ = 	snop  }
0x3b: {  	_ = 	snop  }
0x3c: {  	p2 =	seq.s32 s10, $0x1;
	s10 =	sld [smem:$0x3FB3]  }
0x3d: {  	_ =	shalt  }
0x3e: {  	_ =	shalt  }
0x3f: {  	_ =	shalt  }
0x40: {  	_ =	shalt  }
0x41: {  	_ =	shalt  }
0x42: {  	_ =	shalt  }
0x43: {  	_ =	shalt  }
0x44: {  	_ =	shalt  }
0x45: {  	_ =	shalt  }
0x46: {  	_ =	shalt  }
0x47: {  	_ =	shalt  }
0x48: {  	_ =	shalt  }
0x49: {  	_ =	shalt  }
0x4a: {  	_ =	shalt  }
0x4b: {  	_ =	shalt  }
0x4c: {  	_ =	shalt  }
0x4d: {  	_ =	shalt  }
0x4e: {  	_ =	shalt  }
0x4f: {  	_ =	shalt  }
0x50: {  	_ =	shalt  }
0x51: {  	_ =	shalt  }
0x52: {  	_ =	shalt  }
0x53: {  	_ =	shalt  }
0x54: {  	_ =	shalt  }
0x55: {  	_ =	shalt  }
0x56: {  	_ =	shalt  }
0x57: {  	_ =	shalt  }
0x58: {  	_ =	shalt  }
0x59: {  	_ =	shalt  }
0x5a: {  	_ =	shalt  }
0x5b: {  	_ =	shalt  }
0x5c: {  	_ =	shalt  }
0x5d: {  	_ =	shalt  }
0x5e: {  	_ =	shalt  }
0x5f: {  	_ =	shalt  }
0x60: {  	_ =	shalt  }
0x61: {  	_ =	shalt  }
0x62: {  	_ =	shalt  }
0x63: {  	_ =	shalt  }
0x64: {  	_ =	shalt  }
0x65: {  	_ =	shalt  }
0x66: {  	_ =	shalt  }
0x67: {  	_ =	shalt  }
0x68: {  	_ =	shalt  }
0x69: {  	_ =	shalt  }
0x6a: {  	_ =	shalt  }
0x6b: {  	_ =	shalt  }
0x6c: {  	_ =	shalt  }
0x6d: {  	_ =	shalt  }
0x6e: {  	_ =	shalt  }
0x6f: {  	_ =	shalt  }
0x70: {  	_ =	shalt  }
0x71: {  	_ =	shalt  }
0x72: {  	_ =	shalt  }
0x73: {  	_ =	shalt  }
0x74: {  	_ =	shalt  }
0x75: {  	_ =	shalt  }
0x76: {  	_ =	shalt  }
0x77: {  	_ =	shalt  }
0x78: {  	_ =	shalt  }
0x79: {  	_ =	shalt  }
0x7a: {  	_ =	shalt  }
0x7b: {  	_ =	shalt  }
0x7c: {  	_ =	shalt  }
0x7d: {  	_ =	shalt  }
0x7e: {  	_ =	shalt  }
0x7f: {  	_ =	shalt  }
0x80: {  	_ =	shalt  }
0x81: {  	_ =	shalt  }
0x82: {  	_ =	shalt  }
0x83: {  	_ =	shalt  }
0x84: {  	_ =	shalt  }
0x85: {  	_ =	shalt  }
0x86: {  	_ =	shalt  }
0x87: {  	_ =	shalt  }
.Lfunc_end0:
.L_simem_size_0:
called_computation_lowered:
.L_overlay_start_0:
0x88: {  	s2 =	sld [smem:$0x3FD9]  }
0x89: {  	s3 =	sld [smem:$0x3FFE];
	_ =	sdelay $0x1  }
0x8a: {  	s1 =	srdreg.scid  }
0x8b: {  	s0 =	sand.u32 $0x1, s1  }
0x8c: {  	s14 =	sshll.u32 s0, $0xA;
	s2 =	sadd.s32 s3, s2  }
0x8d: {  	s2 =	sadd.s32 s2, s14  }
0x8e: {  	[smem:$0x3FBF] =	sst s2  }
0x8f: {  	_ = 	snop  }
0x90: {  	s2 =	sld [smem:$0x3FD0];
	_ =	sdelay $0x2  }
0x91: {  	s15 =	simm.s32 $0xB;
	s4 =	simm.s32 $0x10  }
0x92: {  	[smem:s4], [sflag:s15] =	dma.local [hbm:s2], $0x1  }
0x93: {  	_ =	swait.eq [sflag:s15], $0x1  }
0x94: {  	[sflag:s15] =	ssyncset.done $0x0  }
0x95: {  	s16 =	sld [smem:$0x10];
	[sflag:s15] =	ssyncadd.s32 $0xFFFFFFFF  }
0x96: {  	s17 =	sld [smem:$0x11];
	(tm) =	ssettm $0x1  }
0x97: {  	s18 =	sld [smem:$0x3FFB];
	_ =	sdelay $0x3  }
0x98: {  	_ =	strace s18  }
0x99: {  	s4 =	sld [smem:$0x3FFC];
	_ =	sdelay $0x3  }
0x9a: {  	_ =	strace s4  }
0x9b: {  	s4 =	sld [smem:$0x3FFD];
	_ =	sdelay $0x3  }
0x9c: {  	_ =	strace s4  }
0x9d: {  	_ =	strace $0x8FFFFFFF  }
0x9e: {  	s19 =	sld [smem:$0x3FDB];
	_ =	sdelay $0x1  }
0x9f: {  	s5 =	simm.s32 $_scs_section_size  }
0xa0: {  	s6 =	simm.s32 $_size__tile_overlayer_lowered;
	s7 =	simm.s32 $_tile_overlayer_lowered  }
0xa1: {  	s22 =	simm.s32 $0x1BFF;
	s21 =	sshll.u32 s7, $0x1;
	s4 =	sadd.s32 s5, s19  }
0xa2: {  	s8 =	simm.s32 $0x0;
	s20 =	sshll.u32 s6, $0x1;
	s6 =	sadd.s32 s21, s4  }
0xa3: {  	[timem:s8], [sflag:s22] =	dma.local [hbm:s6], s20  }
0xa4: {  	_ =	swait.ge [sflag:s22], s20  }
0xa5: {  	s5 =	ssub.s32 $0x0, s20;
	[sflag:s22] =	ssyncset.done $0x0  }
0xa6: {  	[sflag:s22] =	ssyncadd.s32 s5;
	_ =	sdelay $0x1  }
0xa7: {  	s23 =	simm.s32 $0x1B8B  }
0xa8: {  	_ =	swait.ge [sflag:s23], $0x1  }
0xa9: {  	[sflag:s23] =	ssyncset.done $0x0  }
0xaa: {  	s25 =	simm.s32 $0x1B8E;
	s24 =	sld [smem:$0x3FFE];
	[sflag:s23] =	ssyncadd.s32 $0xFFFFFFFF  }
0xab: {  	s26 =	simm.s32 $execute0_lowered;
	[smem:$0x3FD2] =	sst s25  }
0xac: {  	s6 =	sshll.u32 s26, $0x1;
	_ =	strace $0x80000046;
	[dreg:$0x1] =	wrdreg $0xFFFFFFFF  }
0xad: {  	s28 =	simm.s32 $_size_execute0_lowered;
	s4 =	sadd.s32 s4, s6;
	[dreg:$0x0] =	wrdreg $0x0  }
0xae: {  	s6 =	sshll.u32 s28, $0x1;
	[dreg:$0x2] =	wrdreg s4  }
0xaf: {  	[dreg:$0x3] =	wrdreg s6  }
0xb0: {  	[dreg:$0x4] =	wrdreg $0xC0  }
0xb1: {  	_ =	task [dreg:s8], $0x5FFFF  }
0xb2: {  	[dreg:$0x1] =	wrdreg $0xFFFFFFFF  }
0xb3: {  	[dreg:$0x0] =	wrdreg $0x60  }
0xb4: {  	[dreg:$0x2] =	wrdreg s24  }
0xb5: {  	[dreg:$0x3] =	wrdreg s17  }
0xb6: {  	[dreg:$0x4] =	wrdreg s16  }
0xb7: {  	[dreg:$0x5] =	wrdreg $0x2C000  }
0xb8: {  	[dreg:$0x6] =	wrdreg $0x9  }
0xb9: {  	_ =	task.clear_ibuf [dreg:s8], $0x7FFFF;
	_ =	strace $0x90000046  }
0xba: {  	s29 =	simm.s32 $0x9;
	_ =	strace $0x80000048  }
0xbb: {  	_ =	swait.ge [sflag:s29], $0x1  }
0xbc: {  	[sflag:s29] =	ssyncadd.s32 $0xFFFFFFFF  }
0xbd: {  	_ =	strace $0x90000048  }
0xbe: {  	_ =	sfence  }
0xbf: {  	s30 =	sld [smem:$0x0];
	_ =	sdelay $0x2  }
0xc0: {  	s31 =	sshll.u32 s1, $0xD;
	s1 =	sshrl.u32 s1, $0x2  }
0xc1: {  	s3 =	sand.u32 $0x4000, s31;
	s1 =	sadd.s32 s1, s30  }
0xc2: {  	s0 =	sor.u32 s3, s0;
	s1 =	sshll.u32 s1, $0x11  }
0xc3: {  	s0 =	sor.u32 s1, s0  }
0xc4: {  	s0 =	sadd.s32 $0x8F2B, s0  }
0xc5: {  	[sflag:s0] =	ssyncadd.remote.s32 $0x1  }
0xc6: {  	_ =	sfence.sel $0xFFFF  }
0xc7: {  	[dreg:$0x0] =	wrdreg $0xFFFFFFFF;
	(pc) =	sbr.abs _section_cstart, $3  }
0xc8: {  	[dreg:$0x1] =	wrdreg $0xFFFFFFFF  }
0xc9: {  	_ =	task.clear_ibuf [dreg:s8], $0x2FFFF;
	_ =	strace $0x9FFFFFFF  }
0xca: {  	(tm) =	ssettm $0x7FFFFFFF  }
0xcb: {  	_ =	shalt  }
tec
execute0_lowered:
.L_overlay_start_1:
0x0: {  	(tag) =	ssettag $0x1  }
0x1: {  	s5 =	rddreg [dreg:$0x0]  }
0x2: {  	s1 =	rddreg [dreg:$0x1]  }
0x3: {  	s12 =	rddreg [dreg:$0x2]  }
0x4: {  	s0 =	srdreg.scid;
	s3 =	rddreg [dreg:$0x3]  }
0x5: {  	s4 =	simm.s32 $0x0;
	s8 =	sand.u32 $0x1, s0;
	s0 =	stileid.u32  }
0x6: {  	s19 =	simm.s32 $0x0;
	[smem:$0x7FF] =	sst s4;
	s7 =	smul.u32 $0x5000, s0  }
0x7: {  	s11 =	sadd.s32 $0x80, s1;
	s2 =	sshll.u32 s8, $0x4;
	s13 =	smul.u32 $0x1400, s0  }
0x8: {  	s30 =	ssub.s32 $0x2, s8;
	s15 =	smul.u32 $0x2800, s8;
	s31 =	sshll.u32 s0, $0x6  }
0x9: {  	s6 =	sor.u32 s0, s2;
	s2 =	rddreg [dreg:$0x4];
	_ =	strace $0x80000047  }
0xa: {  	s9 =	sshrl.u32 s30, $0x1;
	s6 =	smul.u32 $0x500, s6;
	s7 =	sshrl.u32 s7, $0x2  }
0xb: {  	s14 =	ssub.s32 s30, s9;
	s16 =	sadd.s32 s12, s15;
	s17 =	sshrl.u32 s13, $0x3  }
0xc: {  	s15 =	simm.s32 $0x80;
	s10 =	sadd.s32 s7, s3;
	s12 =	smax.u32 s14, $0x1  }
0xd: {  	s14 =	simm.s32 $0x2800;
	s16 =	sadd.s32 s17, s16;
	s17 =	sor.u32 $0x1C01, s31  }
0xe: {  	s5 =	sadd.s32 s6, s5;
	s6 =	sadd.s32 s13, s3;
	s7 =	sadd.s32 $0x400, s10  }
0xf: {  	s8 =	sadd.s32 $0x800, s10;
	s9 =	sadd.s32 $0xC00, s10;
	s10 =	sadd.s32 $0x1000, s10  }
0x10: {  	s13 =	simm.s32 $0x1;
	s5 =	sadd.s32 $0x3400, s5;
	s18 =	sshrl.u32 s6, $0x3  }
.LBB2_1:
0x11: {  	[tilespmem:s4], [sflag:$0x1] =	stream.linear.gather [hbm4b:s5+s4], $0x2800, $0x38;
	[tilespmem:$0x4000] =	vst v63  }
0x12: {  	_ =	swait.ge [sflag:s13], $0x2800  }
0x13: {  	[sflag:s13] =	ssyncset.done $0x0  }
0x14: {  	[sflag:s13] =	ssyncadd.s32 $0xFFFFD800  }
0x15: {  	[tilespmem:s14], [sflag:$0x1] =	stream.linear.gather [hbm4b:s1+s4], $0x400, $0x38;
	[tilespmem:$0x4000] =	vst v63  }
0x16: {  	_ =	swait.ge [sflag:s13], $0x400  }
0x17: {  	[sflag:s13] =	ssyncset.done $0x0  }
0x18: {  	[sflag:s13] =	ssyncadd.s32 $0xFFFFFC00  }
0x19: {  	[spmem:s6] =	stream.linear.scatter [tilespmem:s14], [sflag:$0x1], $0x400, $0x38;
	[tilespmem:$0x4000] =	vst v63  }
0x1a: {  	_ =	swait.ge [sflag:s13], $0x400  }
0x1b: {  	[sflag:s13] =	ssyncset.done $0x0  }
0x1c: {  	[sflag:s13] =	ssyncadd.s32 $0xFFFFFC00  }
0x1d: {  	[spmem:s7] =	stream.linear.scatter [tilespmem:s14], [sflag:$0x1], $0x400, $0x38;
	[tilespmem:$0x4000] =	vst v63  }
0x1e: {  	_ =	swait.ge [sflag:s13], $0x400  }
0x1f: {  	[sflag:s13] =	ssyncset.done $0x0  }
0x20: {  	[sflag:s13] =	ssyncadd.s32 $0xFFFFFC00  }
0x21: {  	[spmem:s8] =	stream.linear.scatter [tilespmem:s14], [sflag:$0x1], $0x400, $0x38;
	[tilespmem:$0x4000] =	vst v63  }
0x22: {  	_ =	swait.ge [sflag:s13], $0x400  }
0x23: {  	[sflag:s13] =	ssyncset.done $0x0  }
0x24: {  	[sflag:s13] =	ssyncadd.s32 $0xFFFFFC00  }
0x25: {  	[spmem:s9] =	stream.linear.scatter [tilespmem:s14], [sflag:$0x1], $0x400, $0x38;
	[tilespmem:$0x4000] =	vst v63  }
0x26: {  	_ =	swait.ge [sflag:s13], $0x400  }
0x27: {  	[sflag:s13] =	ssyncset.done $0x0  }
0x28: {  	[sflag:s13] =	ssyncadd.s32 $0xFFFFFC00  }
0x29: {  	[spmem:s10] =	stream.linear.scatter [tilespmem:s14], [sflag:$0x1], $0x400, $0x38;
	[tilespmem:$0x4000] =	vst v63  }
0x2a: {  	_ =	swait.ge [sflag:s13], $0x400  }
0x2b: {  	[sflag:s13] =	ssyncset.done $0x0  }
0x2c: {  	[sflag:s13] =	ssyncadd.s32 $0xFFFFFC00  }
0x2d: {  	[tilespmem:s14], [sflag:$0x1] =	stream.linear.gather [hbm4b:s11+s4], $0x400, $0x38;
	[tilespmem:$0x4000] =	vst v63  }
0x2e: {  	_ =	swait.ge [sflag:s13], $0x400  }
0x2f: {  	[sflag:s13] =	ssyncset.done $0x0  }
0x30: {  	[sflag:s13] =	ssyncadd.s32 $0xFFFFFC00  }
0x31: {  	s20 =	simm.s32 $0x0;
	[bflag:$0x0] =	sbarrier.arrive $0xFFFF  }
0x32: {  	[spmem:s3] =	stream.indirect.scatter.add.f32 [tilespmem:s14], [sflag:$0x1], $0x8, s20, s15, $0xb8;
	[tilespmem:$0x4000] =	vst v63  }
0x33: {  	_ =	swait.ge [sflag:s13], $0x400  }
0x34: {  	s20 =	simm.s32 $0x200;
	[sflag:s13] =	ssyncset.done $0x0  }
.LBB2_2:
0x35: {  	s21 =	sshra.s32 s20, $0x2;
	[sflag:s13] =	ssyncadd.s32 $0xFFFFFC00;
	p0 =	sne.s32 s20, $0x9E00  }
0x36: {  	[spmem:s3] =	stream.indirect.scatter.add.f32 [tilespmem:s14], [sflag:$0x1], $0x8, s21, s15, $0xb8;
	[tilespmem:$0x4000] =	vst v63  }
.Ltmp0:
0x37: {  	_ = 	snop;
	(pc) =	sbr.rel @p0 .LBB2_2-.Ltmp0, $4  }
0x38: {  	_ = 	snop  }
0x39: {  	s20 =	sadd.s32 $0x200, s20  }
0x3a: {  	_ =	swait.ge [sflag:s13], $0x400  }
0x3b: {  	[sflag:s13] =	ssyncset.done $0x0  }
0x3c: {  	s19 =	sadd.s32 $0x1, s19  }
0x3d: {  	[sflag:s13] =	ssyncadd.s32 $0xFFFFFC00;
	p0 =	sne.s32 s19, s12  }
.Ltmp1:
0x3e: {  	[bflag:$0x0] =	sbarrier.arrive $0xFFFF;
	(pc) =	sbr.rel @p0 .LBB2_1-.Ltmp1, $4  }
0x3f: {  	[hbm:s16], [sflag:s17] =	dma.local [spmem:s18], $0x280  }
0x40: {  	_ =	swait.ge [sflag:s13], $0x280  }
0x41: {  	[sflag:s13] =	ssyncset.done $0x0  }
0x42: {  	[sflag:s13] =	ssyncadd.s32 $0xFFFFFD80  }
0x43: {  	_ =	sfence.sel $0x180000  }
0x44: {  	[bflag:$0x0] =	sbarrier.arrive $0xFFFF  }
0x45: {  	p0 =	sne.s32 s0, $0x0;
	_ =	strace $0x90000047  }
0x46: {  	s0 =	sadd.s32 @!p0 $0x100000, s2;
	[bflag:$0x2] =	sbarrier.arrive $0xFFFF  }
0x47: {  	[sflag:s0] =	ssyncadd.tile.s32 @!p0 $0x1;
	_ =	shalt  }
.Lfunc_end2:
_tile_overlayer_lowered:
.L_overlay_start_2:
0x48: {  	(tag) =	ssettag $0x2  }
0x49: {  	s0 =	rddreg [dreg:$0x0];
	s2 =	stileid.u32  }
0x4a: {  	s1 =	rddreg [dreg:$0x1];
	p0 =	sne.s32 s2, $0x0  }
0x4b: {  	s3 =	rddreg [dreg:$0x2];
	[bflag:$0x3] =	sbarrier.arrive $0xFFFF;
	s2 =	simm.s32 @!p0 $0x1C01  }
0x4c: {  	[timem:s3], [sflag:s2] =	dma.local @!p0 [hbm:s0], s1  }
0x4d: {  	s0 =	simm.s32 @!p0 $0x1  }
0x4e: {  	_ =	swait.ge @!p0 [sflag:s0], s1  }
0x4f: {  	s1 =	ssub.s32 @!p0 $0x0, s1;
	[sflag:s0] =	ssyncset.done @!p0 $0x0  }
0x50: {  	[sflag:s0] =	ssyncadd.s32 @!p0 s1  }
0x51: {  	[bflag:$0x3] =	sbarrier.arrive $0xFFFF  }
0x52: {  	_ =	shalt  }

</sc_bundles>
